<compile_context>
chip_gen: v7x
topology: tpu7x:2x2x1
jax: 0.10.2.dev20260603
libtpu: 0.0.44.dev20260713+nightly
codegen_flags: <defaults>
</compile_context>

<pallas_src>
import functools

import jax
import jax.numpy as jnp
from jax import lax
from jax.experimental import pallas as pl
from jax.experimental.pallas import tpu as pltpu
from jax.experimental.pallas import tpu_sc as plsc

NUM_EMB = 100000
DIM = 128
BATCH = 4096
HIST = 50

_NC = 2
_NS = 16
_NW = _NC * _NS
_TOTAL = BATCH * HIST
_PER_W = _TOTAL // _NW
_CHUNK = 128
_NCHUNK = _PER_W // _CHUNK
_K = 5
_A = 3
_NGROUP = _NCHUNK // _K


def _sc_gather(table, idx_flat):
    mesh = plsc.VectorSubcoreMesh(
        core_axis_name="c", subcore_axis_name="s",
        num_cores=_NC, num_subcores=_NS)

    @functools.partial(
        pl.kernel,
        out_type=jax.ShapeDtypeStruct((_TOTAL, DIM), jnp.float32),
        mesh=mesh,
        scratch_types=(
            [pltpu.VMEM((_NCHUNK, _CHUNK), jnp.int32),
             pltpu.VMEM((_K, _CHUNK, DIM), jnp.float32)]
            + [pltpu.SemaphoreType.DMA] * (2 * _K)
        ),
    )
    def k(table_hbm, idx_hbm, out_hbm, idx_v, rows, *sems):
        gs = sems[:_K]
        ws = sems[_K:]
        wid = lax.axis_index("s") * _NC + lax.axis_index("c")
        base = wid * _PER_W
        pltpu.sync_copy(idx_hbm.at[wid], idx_v)

        def gather(j, b):
            pltpu.async_copy(table_hbm.at[idx_v.at[j]], rows.at[b], gs[b])

        def wait_gather(b):
            pltpu.make_async_copy(
                table_hbm.at[idx_v.at[0]], rows.at[b], gs[b]).wait()

        def write(j, b):
            pltpu.async_copy(
                rows.at[b], out_hbm.at[pl.ds(base + j * _CHUNK, _CHUNK)],
                ws[b])

        def wait_write(b):
            pltpu.make_async_copy(
                rows.at[b], out_hbm.at[pl.ds(base, _CHUNK)], ws[b]).wait()

        for b in range(_A):
            gather(b, b)

        for b in range(_K):
            jf = b + _A
            bf = (b + _A) % _K
            if jf >= _K:
                wait_write(bf)
            gather(jf, bf)
            wait_gather(b)
            write(b, b)

        def mid(g, _):
            for b in range(_K):
                j = g * _K + b
                bf = (b + _A) % _K
                wait_write(bf)
                gather(j + _A, bf)
                wait_gather(b)
                write(j, b)
            return ()

        lax.fori_loop(1, _NGROUP - 1, mid, ())

        gl = _NGROUP - 1
        for b in range(_K):
            j = gl * _K + b
            bf = (b + _A) % _K
            if j + _A < _NCHUNK:
                wait_write(bf)
                gather(j + _A, bf)
            wait_gather(b)
            write(j, b)

        for b in range(_K):
            wait_write(b)

    return k(table, idx_flat)


def kernel(indices, table):
    idx_t = indices.T.reshape(_NW, _NCHUNK, _CHUNK).astype(jnp.int32)
    out_t = _sc_gather(table, idx_t)
    return out_t.reshape(HIST, BATCH, DIM).transpose(1, 0, 2)

# --- scband reference (transcript-rebuilt; emitter-appended) ---
"""Pipeline reference for scband-base-model-58574763983301 (READ-ONLY COPY).

The authoritative reference and input builder live on the scoring server;
editing this copy changes nothing except your own understanding.
"""

import jax, jax.numpy as jnp
import numpy as np

NUM_EMBEDDINGS = 100000
EMBEDDING_DIM = 128
BATCH = 4096
HIST_LEN = 50


def setup_inputs(seed: int = 0) -> dict:
    key = jax.random.key(seed)
    k_idx, k_tab = jax.random.split(key)
    indices = jax.random.randint(k_idx, (BATCH, HIST_LEN), 0, NUM_EMBEDDINGS, dtype=jnp.int64 if jax.config.jax_enable_x64 else jnp.int32)
    table = jax.random.normal(k_tab, (NUM_EMBEDDINGS, EMBEDDING_DIM), dtype=jnp.float32)
    # nn.Embedding with padding_idx=0 zeroes row 0
    table = table.at[0].set(0.0)
    return {"indices": indices, "table": table}


def reference(indices, table):
    # Faithful to nn.Embedding forward: gather rows of the table.
    return jnp.take(table, indices, axis=0)

if __name__ == "__main__":
    import jax
    _d = setup_inputs()
    print(jax.jit(kernel)(*tuple(_d.values())))

</pallas_src>

<mosaic_0001>
#map = affine_map<(d0, d1) -> (0, 0)>
#map1 = affine_map<(d0, d1) -> (0, 0, 0)>
module attributes {stable_mosaic.version = 14 : i64} {
  func.func @k(%arg0: i32, %arg1: i32, %arg2: memref<100000x128xf32, #tpu.memory_space<hbm>>, %arg3: memref<32x50x128xi32, #tpu.memory_space<hbm>>, %arg4: memref<204800x128xf32, #tpu.memory_space<hbm>>, %arg5: memref<50x128xi32, #tpu.memory_space<vmem>>, %arg6: memref<5x128x128xf32, #tpu.memory_space<vmem>>, %arg7: memref<!tpu.dma_semaphore, #tpu.memory_space<semaphore_mem>>, %arg8: memref<!tpu.dma_semaphore, #tpu.memory_space<semaphore_mem>>, %arg9: memref<!tpu.dma_semaphore, #tpu.memory_space<semaphore_mem>>, %arg10: memref<!tpu.dma_semaphore, #tpu.memory_space<semaphore_mem>>, %arg11: memref<!tpu.dma_semaphore, #tpu.memory_space<semaphore_mem>>, %arg12: memref<!tpu.dma_semaphore, #tpu.memory_space<semaphore_mem>>, %arg13: memref<!tpu.dma_semaphore, #tpu.memory_space<semaphore_mem>>, %arg14: memref<!tpu.dma_semaphore, #tpu.memory_space<semaphore_mem>>, %arg15: memref<!tpu.dma_semaphore, #tpu.memory_space<semaphore_mem>>, %arg16: memref<!tpu.dma_semaphore, #tpu.memory_space<semaphore_mem>>) attributes {dimension_semantics = [#tpu.dimension_semantics<core_parallel>, #tpu.dimension_semantics<subcore_parallel>], iteration_bounds = array<i64: 2, 16>, scalar_prefetch = 0 : i64, scratch_operands = 12 : i64, tpu.core_type = #tpu.core_type<sc_vector_subcore>, window_params = [{transform_indices = #map}, {transform_indices = #map1}, {transform_indices = #map}]} {
    %mul3A = arith.constant 2 : i32
    %mul3A_0 = arith.muli %arg1, %mul3A : i32
    %add3A = arith.addi %mul3A_0, %arg0 : i32
    %mul3A_1 = arith.constant 6400 : i32
    %mul3A_2 = arith.muli %add3A, %mul3A_1 : i32
    "tpu.region"() ({
      %run_scoped3A = tpu.sem_alloc : memref<!tpu.dma_semaphore, #tpu.memory_space<semaphore_mem>>
      %dma_start3A_525 = arith.constant 0 : i32
      %dma_start3A_526 = arith.constant 0 : i32
      %dma_start3A_527 = tpu.memref_slice %arg3[%add3A, %dma_start3A_525, %dma_start3A_526] : memref<32x50x128xi32, #tpu.memory_space<hbm>> -> memref<1x50x128xi32, #tpu.memory_space<hbm>>
      %dma_start3A_528 = tpu.memref_squeeze %dma_start3A_527 : memref<1x50x128xi32, #tpu.memory_space<hbm>> -> memref<50x128xi32, #tpu.memory_space<hbm>>
      %dma_start3A_529 = arith.constant 0 : i32
      %dma_start3A_530 = arith.constant 0 : i32
      %dma_start3A_531 = tpu.memref_slice %arg3[%add3A, %dma_start3A_529, %dma_start3A_530] : memref<32x50x128xi32, #tpu.memory_space<hbm>> -> memref<1x50x128xi32, #tpu.memory_space<hbm>>
      %dma_start3A_532 = tpu.memref_squeeze %dma_start3A_531 : memref<1x50x128xi32, #tpu.memory_space<hbm>> -> memref<50x128xi32, #tpu.memory_space<hbm>>
      tpu.enqueue_dma source(%dma_start3A_532 : memref<50x128xi32, #tpu.memory_space<hbm>>) target(%arg5 : memref<50x128xi32, #tpu.memory_space<vmem>>) target_semaphore(%run_scoped3A : memref<!tpu.dma_semaphore, #tpu.memory_space<semaphore_mem>>)
      %dma_wait3A_533 = arith.constant 0 : i32
      %dma_wait3A_534 = arith.constant 0 : i32
      %dma_wait3A_535 = tpu.memref_slice %arg3[%add3A, %dma_wait3A_533, %dma_wait3A_534] : memref<32x50x128xi32, #tpu.memory_space<hbm>> -> memref<1x50x128xi32, #tpu.memory_space<hbm>>
      %dma_wait3A_536 = tpu.memref_squeeze %dma_wait3A_535 : memref<1x50x128xi32, #tpu.memory_space<hbm>> -> memref<50x128xi32, #tpu.memory_space<hbm>>
      %dma_wait3A_537 = arith.constant 0 : i32
      %dma_wait3A_538 = arith.constant 0 : i32
      %dma_wait3A_539 = tpu.memref_slice %arg3[%add3A, %dma_wait3A_537, %dma_wait3A_538] : memref<32x50x128xi32, #tpu.memory_space<hbm>> -> memref<1x50x128xi32, #tpu.memory_space<hbm>>
      %dma_wait3A_540 = tpu.memref_squeeze %dma_wait3A_539 : memref<1x50x128xi32, #tpu.memory_space<hbm>> -> memref<50x128xi32, #tpu.memory_space<hbm>>
      tpu.wait_dma2 semaphore(%run_scoped3A : memref<!tpu.dma_semaphore, #tpu.memory_space<semaphore_mem>>) src(%dma_wait3A_540 : memref<50x128xi32, #tpu.memory_space<hbm>>) dst(%arg5 : memref<50x128xi32, #tpu.memory_space<vmem>>)
      tpu.yield
    }) : () -> ()
    %dma_start3A = arith.constant 0 : i32
    %dma_start3A_3 = arith.constant 0 : i32
    %dma_start3A_4 = arith.constant 0 : i32
    %dma_start3A_5 = arith.constant 0 : i32
    %dma_start3A_6 = tpu.memref_slice %arg6[%dma_start3A_3, %dma_start3A_4, %dma_start3A_5] : memref<5x128x128xf32, #tpu.memory_space<vmem>> -> memref<1x128x128xf32, #tpu.memory_space<vmem>>
    %dma_start3A_7 = tpu.memref_squeeze %dma_start3A_6 : memref<1x128x128xf32, #tpu.memory_space<vmem>> -> memref<128x128xf32, #tpu.memory_space<vmem>>
    %dma_start3A_8 = arith.constant 0 : i32
    %dma_start3A_9 = tpu.memref_slice %arg5[%dma_start3A, %dma_start3A_8] : memref<50x128xi32, #tpu.memory_space<vmem>> -> memref<1x128xi32, #tpu.memory_space<vmem>>
    %dma_start3A_10 = tpu.memref_squeeze %dma_start3A_9 : memref<1x128xi32, #tpu.memory_space<vmem>> -> memref<128xi32, #tpu.memory_space<vmem>>
    %dma_start3A_11 = arith.constant 0 : i32
    %dma_start3A_12 = arith.constant 0 : i32
    %dma_start3A_13 = tpu.memref_slice %arg2[%dma_start3A_11, %dma_start3A_12] : memref<100000x128xf32, #tpu.memory_space<hbm>> -> memref<100000x128xf32, #tpu.memory_space<hbm>>
    tpu.enqueue_indirect_dma source(%dma_start3A_13 : memref<100000x128xf32, #tpu.memory_space<hbm>>) target(%dma_start3A_7 : memref<128x128xf32, #tpu.memory_space<vmem>>) offsets(%dma_start3A_10 : memref<128xi32, #tpu.memory_space<vmem>>) semaphore(%arg7 : memref<!tpu.dma_semaphore, #tpu.memory_space<semaphore_mem>>)
    %dma_start3A_14 = arith.constant 1 : i32
    %dma_start3A_15 = arith.constant 1 : i32
    %dma_start3A_16 = arith.constant 0 : i32
    %dma_start3A_17 = arith.constant 0 : i32
    %dma_start3A_18 = tpu.memref_slice %arg6[%dma_start3A_15, %dma_start3A_16, %dma_start3A_17] : memref<5x128x128xf32, #tpu.memory_space<vmem>> -> memref<1x128x128xf32, #tpu.memory_space<vmem>>
    %dma_start3A_19 = tpu.memref_squeeze %dma_start3A_18 : memref<1x128x128xf32, #tpu.memory_space<vmem>> -> memref<128x128xf32, #tpu.memory_space<vmem>>
    %dma_start3A_20 = arith.constant 0 : i32
    %dma_start3A_21 = tpu.memref_slice %arg5[%dma_start3A_14, %dma_start3A_20] : memref<50x128xi32, #tpu.memory_space<vmem>> -> memref<1x128xi32, #tpu.memory_space<vmem>>
    %dma_start3A_22 = tpu.memref_squeeze %dma_start3A_21 : memref<1x128xi32, #tpu.memory_space<vmem>> -> memref<128xi32, #tpu.memory_space<vmem>>
    %dma_start3A_23 = arith.constant 0 : i32
    %dma_start3A_24 = arith.constant 0 : i32
    %dma_start3A_25 = tpu.memref_slice %arg2[%dma_start3A_23, %dma_start3A_24] : memref<100000x128xf32, #tpu.memory_space<hbm>> -> memref<100000x128xf32, #tpu.memory_space<hbm>>
    tpu.enqueue_indirect_dma source(%dma_start3A_25 : memref<100000x128xf32, #tpu.memory_space<hbm>>) target(%dma_start3A_19 : memref<128x128xf32, #tpu.memory_space<vmem>>) offsets(%dma_start3A_22 : memref<128xi32, #tpu.memory_space<vmem>>) semaphore(%arg8 : memref<!tpu.dma_semaphore, #tpu.memory_space<semaphore_mem>>)
    %dma_start3A_26 = arith.constant 2 : i32
    %dma_start3A_27 = arith.constant 2 : i32
    %dma_start3A_28 = arith.constant 0 : i32
    %dma_start3A_29 = arith.constant 0 : i32
    %dma_start3A_30 = tpu.memref_slice %arg6[%dma_start3A_27, %dma_start3A_28, %dma_start3A_29] : memref<5x128x128xf32, #tpu.memory_space<vmem>> -> memref<1x128x128xf32, #tpu.memory_space<vmem>>
    %dma_start3A_31 = tpu.memref_squeeze %dma_start3A_30 : memref<1x128x128xf32, #tpu.memory_space<vmem>> -> memref<128x128xf32, #tpu.memory_space<vmem>>
    %dma_start3A_32 = arith.constant 0 : i32
    %dma_start3A_33 = tpu.memref_slice %arg5[%dma_start3A_26, %dma_start3A_32] : memref<50x128xi32, #tpu.memory_space<vmem>> -> memref<1x128xi32, #tpu.memory_space<vmem>>
    %dma_start3A_34 = tpu.memref_squeeze %dma_start3A_33 : memref<1x128xi32, #tpu.memory_space<vmem>> -> memref<128xi32, #tpu.memory_space<vmem>>
    %dma_start3A_35 = arith.constant 0 : i32
    %dma_start3A_36 = arith.constant 0 : i32
    %dma_start3A_37 = tpu.memref_slice %arg2[%dma_start3A_35, %dma_start3A_36] : memref<100000x128xf32, #tpu.memory_space<hbm>> -> memref<100000x128xf32, #tpu.memory_space<hbm>>
    tpu.enqueue_indirect_dma source(%dma_start3A_37 : memref<100000x128xf32, #tpu.memory_space<hbm>>) target(%dma_start3A_31 : memref<128x128xf32, #tpu.memory_space<vmem>>) offsets(%dma_start3A_34 : memref<128xi32, #tpu.memory_space<vmem>>) semaphore(%arg9 : memref<!tpu.dma_semaphore, #tpu.memory_space<semaphore_mem>>)
    %dma_start3A_38 = arith.constant 3 : i32
    %dma_start3A_39 = arith.constant 3 : i32
    %dma_start3A_40 = arith.constant 0 : i32
    %dma_start3A_41 = arith.constant 0 : i32
    %dma_start3A_42 = tpu.memref_slice %arg6[%dma_start3A_39, %dma_start3A_40, %dma_start3A_41] : memref<5x128x128xf32, #tpu.memory_space<vmem>> -> memref<1x128x128xf32, #tpu.memory_space<vmem>>
    %dma_start3A_43 = tpu.memref_squeeze %dma_start3A_42 : memref<1x128x128xf32, #tpu.memory_space<vmem>> -> memref<128x128xf32, #tpu.memory_space<vmem>>
    %dma_start3A_44 = arith.constant 0 : i32
    %dma_start3A_45 = tpu.memref_slice %arg5[%dma_start3A_38, %dma_start3A_44] : memref<50x128xi32, #tpu.memory_space<vmem>> -> memref<1x128xi32, #tpu.memory_space<vmem>>
    %dma_start3A_46 = tpu.memref_squeeze %dma_start3A_45 : memref<1x128xi32, #tpu.memory_space<vmem>> -> memref<128xi32, #tpu.memory_space<vmem>>
    %dma_start3A_47 = arith.constant 0 : i32
    %dma_start3A_48 = arith.constant 0 : i32
    %dma_start3A_49 = tpu.memref_slice %arg2[%dma_start3A_47, %dma_start3A_48] : memref<100000x128xf32, #tpu.memory_space<hbm>> -> memref<100000x128xf32, #tpu.memory_space<hbm>>
    tpu.enqueue_indirect_dma source(%dma_start3A_49 : memref<100000x128xf32, #tpu.memory_space<hbm>>) target(%dma_start3A_43 : memref<128x128xf32, #tpu.memory_space<vmem>>) offsets(%dma_start3A_46 : memref<128xi32, #tpu.memory_space<vmem>>) semaphore(%arg10 : memref<!tpu.dma_semaphore, #tpu.memory_space<semaphore_mem>>)
    %dma_wait3A = arith.constant 0 : i32
    %dma_wait3A_50 = arith.constant 0 : i32
    %dma_wait3A_51 = arith.constant 0 : i32
    %dma_wait3A_52 = arith.constant 0 : i32
    %dma_wait3A_53 = tpu.memref_slice %arg6[%dma_wait3A_50, %dma_wait3A_51, %dma_wait3A_52] : memref<5x128x128xf32, #tpu.memory_space<vmem>> -> memref<1x128x128xf32, #tpu.memory_space<vmem>>
    %dma_wait3A_54 = tpu.memref_squeeze %dma_wait3A_53 : memref<1x128x128xf32, #tpu.memory_space<vmem>> -> memref<128x128xf32, #tpu.memory_space<vmem>>
    %dma_wait3A_55 = arith.constant 0 : i32
    %dma_wait3A_56 = tpu.memref_slice %arg5[%dma_wait3A, %dma_wait3A_55] : memref<50x128xi32, #tpu.memory_space<vmem>> -> memref<1x128xi32, #tpu.memory_space<vmem>>
    %dma_wait3A_57 = tpu.memref_squeeze %dma_wait3A_56 : memref<1x128xi32, #tpu.memory_space<vmem>> -> memref<128xi32, #tpu.memory_space<vmem>>
    %dma_wait3A_58 = arith.constant 0 : i32
    %dma_wait3A_59 = arith.constant 0 : i32
    %dma_wait3A_60 = tpu.memref_slice %arg2[%dma_wait3A_58, %dma_wait3A_59] : memref<100000x128xf32, #tpu.memory_space<hbm>> -> memref<100000x128xf32, #tpu.memory_space<hbm>>
    tpu.wait_indirect_dma semaphore(%arg7 : memref<!tpu.dma_semaphore, #tpu.memory_space<semaphore_mem>>) src(%dma_wait3A_60 : memref<100000x128xf32, #tpu.memory_space<hbm>>) dst(%dma_wait3A_54 : memref<128x128xf32, #tpu.memory_space<vmem>>)
    %add3A_61 = arith.constant 0 : i32
    %add3A_62 = arith.addi %mul3A_2, %add3A_61 : i32
    %dma_start3A_63 = arith.constant 0 : i32
    %dma_start3A_64 = arith.constant 0 : i32
    %dma_start3A_65 = arith.constant 0 : i32
    %dma_start3A_66 = tpu.memref_slice %arg6[%dma_start3A_63, %dma_start3A_64, %dma_start3A_65] : memref<5x128x128xf32, #tpu.memory_space<vmem>> -> memref<1x128x128xf32, #tpu.memory_space<vmem>>
    %dma_start3A_67 = tpu.memref_squeeze %dma_start3A_66 : memref<1x128x128xf32, #tpu.memory_space<vmem>> -> memref<128x128xf32, #tpu.memory_space<vmem>>
    %dma_start3A_68 = arith.constant 0 : i32
    %dma_start3A_69 = tpu.memref_slice %arg4[%add3A_62, %dma_start3A_68] : memref<204800x128xf32, #tpu.memory_space<hbm>> -> memref<128x128xf32, #tpu.memory_space<hbm>>
    %dma_start3A_70 = arith.constant 0 : i32
    %dma_start3A_71 = tpu.memref_slice %arg4[%add3A_62, %dma_start3A_70] : memref<204800x128xf32, #tpu.memory_space<hbm>> -> memref<128x128xf32, #tpu.memory_space<hbm>>
    %dma_start3A_72 = arith.constant 0 : i32
    %dma_start3A_73 = arith.constant 0 : i32
    %dma_start3A_74 = tpu.memref_slice %arg6[%dma_start3A_63, %dma_start3A_72, %dma_start3A_73] : memref<5x128x128xf32, #tpu.memory_space<vmem>> -> memref<1x128x128xf32, #tpu.memory_space<vmem>>
    %dma_start3A_75 = tpu.memref_squeeze %dma_start3A_74 : memref<1x128x128xf32, #tpu.memory_space<vmem>> -> memref<128x128xf32, #tpu.memory_space<vmem>>
    tpu.enqueue_dma source(%dma_start3A_75 : memref<128x128xf32, #tpu.memory_space<vmem>>) target(%dma_start3A_71 : memref<128x128xf32, #tpu.memory_space<hbm>>) target_semaphore(%arg12 : memref<!tpu.dma_semaphore, #tpu.memory_space<semaphore_mem>>)
    %dma_start3A_76 = arith.constant 4 : i32
    %dma_start3A_77 = arith.constant 4 : i32
    %dma_start3A_78 = arith.constant 0 : i32
    %dma_start3A_79 = arith.constant 0 : i32
    %dma_start3A_80 = tpu.memref_slice %arg6[%dma_start3A_77, %dma_start3A_78, %dma_start3A_79] : memref<5x128x128xf32, #tpu.memory_space<vmem>> -> memref<1x128x128xf32, #tpu.memory_space<vmem>>
    %dma_start3A_81 = tpu.memref_squeeze %dma_start3A_80 : memref<1x128x128xf32, #tpu.memory_space<vmem>> -> memref<128x128xf32, #tpu.memory_space<vmem>>
    %dma_start3A_82 = arith.constant 0 : i32
    %dma_start3A_83 = tpu.memref_slice %arg5[%dma_start3A_76, %dma_start3A_82] : memref<50x128xi32, #tpu.memory_space<vmem>> -> memref<1x128xi32, #tpu.memory_space<vmem>>
    %dma_start3A_84 = tpu.memref_squeeze %dma_start3A_83 : memref<1x128xi32, #tpu.memory_space<vmem>> -> memref<128xi32, #tpu.memory_space<vmem>>
    %dma_start3A_85 = arith.constant 0 : i32
    %dma_start3A_86 = arith.constant 0 : i32
    %dma_start3A_87 = tpu.memref_slice %arg2[%dma_start3A_85, %dma_start3A_86] : memref<100000x128xf32, #tpu.memory_space<hbm>> -> memref<100000x128xf32, #tpu.memory_space<hbm>>
    tpu.enqueue_indirect_dma source(%dma_start3A_87 : memref<100000x128xf32, #tpu.memory_space<hbm>>) target(%dma_start3A_81 : memref<128x128xf32, #tpu.memory_space<vmem>>) offsets(%dma_start3A_84 : memref<128xi32, #tpu.memory_space<vmem>>) semaphore(%arg11 : memref<!tpu.dma_semaphore, #tpu.memory_space<semaphore_mem>>)
    %dma_wait3A_88 = arith.constant 0 : i32
    %dma_wait3A_89 = arith.constant 1 : i32
    %dma_wait3A_90 = arith.constant 0 : i32
    %dma_wait3A_91 = arith.constant 0 : i32
    %dma_wait3A_92 = tpu.memref_slice %arg6[%dma_wait3A_89, %dma_wait3A_90, %dma_wait3A_91] : memref<5x128x128xf32, #tpu.memory_space<vmem>> -> memref<1x128x128xf32, #tpu.memory_space<vmem>>
    %dma_wait3A_93 = tpu.memref_squeeze %dma_wait3A_92 : memref<1x128x128xf32, #tpu.memory_space<vmem>> -> memref<128x128xf32, #tpu.memory_space<vmem>>
    %dma_wait3A_94 = arith.constant 0 : i32
    %dma_wait3A_95 = tpu.memref_slice %arg5[%dma_wait3A_88, %dma_wait3A_94] : memref<50x128xi32, #tpu.memory_space<vmem>> -> memref<1x128xi32, #tpu.memory_space<vmem>>
    %dma_wait3A_96 = tpu.memref_squeeze %dma_wait3A_95 : memref<1x128xi32, #tpu.memory_space<vmem>> -> memref<128xi32, #tpu.memory_space<vmem>>
    %dma_wait3A_97 = arith.constant 0 : i32
    %dma_wait3A_98 = arith.constant 0 : i32
    %dma_wait3A_99 = tpu.memref_slice %arg2[%dma_wait3A_97, %dma_wait3A_98] : memref<100000x128xf32, #tpu.memory_space<hbm>> -> memref<100000x128xf32, #tpu.memory_space<hbm>>
    tpu.wait_indirect_dma semaphore(%arg8 : memref<!tpu.dma_semaphore, #tpu.memory_space<semaphore_mem>>) src(%dma_wait3A_99 : memref<100000x128xf32, #tpu.memory_space<hbm>>) dst(%dma_wait3A_93 : memref<128x128xf32, #tpu.memory_space<vmem>>)
    %add3A_100 = arith.constant 128 : i32
    %add3A_101 = arith.addi %mul3A_2, %add3A_100 : i32
    %dma_start3A_102 = arith.constant 1 : i32
    %dma_start3A_103 = arith.constant 0 : i32
    %dma_start3A_104 = arith.constant 0 : i32
    %dma_start3A_105 = tpu.memref_slice %arg6[%dma_start3A_102, %dma_start3A_103, %dma_start3A_104] : memref<5x128x128xf32, #tpu.memory_space<vmem>> -> memref<1x128x128xf32, #tpu.memory_space<vmem>>
    %dma_start3A_106 = tpu.memref_squeeze %dma_start3A_105 : memref<1x128x128xf32, #tpu.memory_space<vmem>> -> memref<128x128xf32, #tpu.memory_space<vmem>>
    %dma_start3A_107 = arith.constant 0 : i32
    %dma_start3A_108 = tpu.memref_slice %arg4[%add3A_101, %dma_start3A_107] : memref<204800x128xf32, #tpu.memory_space<hbm>> -> memref<128x128xf32, #tpu.memory_space<hbm>>
    %dma_start3A_109 = arith.constant 0 : i32
    %dma_start3A_110 = tpu.memref_slice %arg4[%add3A_101, %dma_start3A_109] : memref<204800x128xf32, #tpu.memory_space<hbm>> -> memref<128x128xf32, #tpu.memory_space<hbm>>
    %dma_start3A_111 = arith.constant 0 : i32
    %dma_start3A_112 = arith.constant 0 : i32
    %dma_start3A_113 = tpu.memref_slice %arg6[%dma_start3A_102, %dma_start3A_111, %dma_start3A_112] : memref<5x128x128xf32, #tpu.memory_space<vmem>> -> memref<1x128x128xf32, #tpu.memory_space<vmem>>
    %dma_start3A_114 = tpu.memref_squeeze %dma_start3A_113 : memref<1x128x128xf32, #tpu.memory_space<vmem>> -> memref<128x128xf32, #tpu.memory_space<vmem>>
    tpu.enqueue_dma source(%dma_start3A_114 : memref<128x128xf32, #tpu.memory_space<vmem>>) target(%dma_start3A_110 : memref<128x128xf32, #tpu.memory_space<hbm>>) target_semaphore(%arg13 : memref<!tpu.dma_semaphore, #tpu.memory_space<semaphore_mem>>)
    %dma_wait3A_115 = arith.constant 0 : i32
    %dma_wait3A_116 = arith.constant 0 : i32
    %dma_wait3A_117 = arith.constant 0 : i32
    %dma_wait3A_118 = tpu.memref_slice %arg6[%dma_wait3A_115, %dma_wait3A_116, %dma_wait3A_117] : memref<5x128x128xf32, #tpu.memory_space<vmem>> -> memref<1x128x128xf32, #tpu.memory_space<vmem>>
    %dma_wait3A_119 = tpu.memref_squeeze %dma_wait3A_118 : memref<1x128x128xf32, #tpu.memory_space<vmem>> -> memref<128x128xf32, #tpu.memory_space<vmem>>
    %dma_wait3A_120 = arith.constant 0 : i32
    %dma_wait3A_121 = tpu.memref_slice %arg4[%mul3A_2, %dma_wait3A_120] : memref<204800x128xf32, #tpu.memory_space<hbm>> -> memref<128x128xf32, #tpu.memory_space<hbm>>
    %dma_wait3A_122 = arith.constant 0 : i32
    %dma_wait3A_123 = tpu.memref_slice %arg4[%mul3A_2, %dma_wait3A_122] : memref<204800x128xf32, #tpu.memory_space<hbm>> -> memref<128x128xf32, #tpu.memory_space<hbm>>
    %dma_wait3A_124 = arith.constant 0 : i32
    %dma_wait3A_125 = arith.constant 0 : i32
    %dma_wait3A_126 = tpu.memref_slice %arg6[%dma_wait3A_115, %dma_wait3A_124, %dma_wait3A_125] : memref<5x128x128xf32, #tpu.memory_space<vmem>> -> memref<1x128x128xf32, #tpu.memory_space<vmem>>
    %dma_wait3A_127 = tpu.memref_squeeze %dma_wait3A_126 : memref<1x128x128xf32, #tpu.memory_space<vmem>> -> memref<128x128xf32, #tpu.memory_space<vmem>>
    tpu.wait_dma2 semaphore(%arg12 : memref<!tpu.dma_semaphore, #tpu.memory_space<semaphore_mem>>) src(%dma_wait3A_127 : memref<128x128xf32, #tpu.memory_space<vmem>>) dst(%dma_wait3A_123 : memref<128x128xf32, #tpu.memory_space<hbm>>)
    %dma_start3A_128 = arith.constant 5 : i32
    %dma_start3A_129 = arith.constant 0 : i32
    %dma_start3A_130 = arith.constant 0 : i32
    %dma_start3A_131 = arith.constant 0 : i32
    %dma_start3A_132 = tpu.memref_slice %arg6[%dma_start3A_129, %dma_start3A_130, %dma_start3A_131] : memref<5x128x128xf32, #tpu.memory_space<vmem>> -> memref<1x128x128xf32, #tpu.memory_space<vmem>>
    %dma_start3A_133 = tpu.memref_squeeze %dma_start3A_132 : memref<1x128x128xf32, #tpu.memory_space<vmem>> -> memref<128x128xf32, #tpu.memory_space<vmem>>
    %dma_start3A_134 = arith.constant 0 : i32
    %dma_start3A_135 = tpu.memref_slice %arg5[%dma_start3A_128, %dma_start3A_134] : memref<50x128xi32, #tpu.memory_space<vmem>> -> memref<1x128xi32, #tpu.memory_space<vmem>>
    %dma_start3A_136 = tpu.memref_squeeze %dma_start3A_135 : memref<1x128xi32, #tpu.memory_space<vmem>> -> memref<128xi32, #tpu.memory_space<vmem>>
    %dma_start3A_137 = arith.constant 0 : i32
    %dma_start3A_138 = arith.constant 0 : i32
    %dma_start3A_139 = tpu.memref_slice %arg2[%dma_start3A_137, %dma_start3A_138] : memref<100000x128xf32, #tpu.memory_space<hbm>> -> memref<100000x128xf32, #tpu.memory_space<hbm>>
    tpu.enqueue_indirect_dma source(%dma_start3A_139 : memref<100000x128xf32, #tpu.memory_space<hbm>>) target(%dma_start3A_133 : memref<128x128xf32, #tpu.memory_space<vmem>>) offsets(%dma_start3A_136 : memref<128xi32, #tpu.memory_space<vmem>>) semaphore(%arg7 : memref<!tpu.dma_semaphore, #tpu.memory_space<semaphore_mem>>)
    %dma_wait3A_140 = arith.constant 0 : i32
    %dma_wait3A_141 = arith.constant 2 : i32
    %dma_wait3A_142 = arith.constant 0 : i32
    %dma_wait3A_143 = arith.constant 0 : i32
    %dma_wait3A_144 = tpu.memref_slice %arg6[%dma_wait3A_141, %dma_wait3A_142, %dma_wait3A_143] : memref<5x128x128xf32, #tpu.memory_space<vmem>> -> memref<1x128x128xf32, #tpu.memory_space<vmem>>
    %dma_wait3A_145 = tpu.memref_squeeze %dma_wait3A_144 : memref<1x128x128xf32, #tpu.memory_space<vmem>> -> memref<128x128xf32, #tpu.memory_space<vmem>>
    %dma_wait3A_146 = arith.constant 0 : i32
    %dma_wait3A_147 = tpu.memref_slice %arg5[%dma_wait3A_140, %dma_wait3A_146] : memref<50x128xi32, #tpu.memory_space<vmem>> -> memref<1x128xi32, #tpu.memory_space<vmem>>
    %dma_wait3A_148 = tpu.memref_squeeze %dma_wait3A_147 : memref<1x128xi32, #tpu.memory_space<vmem>> -> memref<128xi32, #tpu.memory_space<vmem>>
    %dma_wait3A_149 = arith.constant 0 : i32
    %dma_wait3A_150 = arith.constant 0 : i32
    %dma_wait3A_151 = tpu.memref_slice %arg2[%dma_wait3A_149, %dma_wait3A_150] : memref<100000x128xf32, #tpu.memory_space<hbm>> -> memref<100000x128xf32, #tpu.memory_space<hbm>>
    tpu.wait_indirect_dma semaphore(%arg9 : memref<!tpu.dma_semaphore, #tpu.memory_space<semaphore_mem>>) src(%dma_wait3A_151 : memref<100000x128xf32, #tpu.memory_space<hbm>>) dst(%dma_wait3A_145 : memref<128x128xf32, #tpu.memory_space<vmem>>)
    %add3A_152 = arith.constant 256 : i32
    %add3A_153 = arith.addi %mul3A_2, %add3A_152 : i32
    %dma_start3A_154 = arith.constant 2 : i32
    %dma_start3A_155 = arith.constant 0 : i32
    %dma_start3A_156 = arith.constant 0 : i32
    %dma_start3A_157 = tpu.memref_slice %arg6[%dma_start3A_154, %dma_start3A_155, %dma_start3A_156] : memref<5x128x128xf32, #tpu.memory_space<vmem>> -> memref<1x128x128xf32, #tpu.memory_space<vmem>>
    %dma_start3A_158 = tpu.memref_squeeze %dma_start3A_157 : memref<1x128x128xf32, #tpu.memory_space<vmem>> -> memref<128x128xf32, #tpu.memory_space<vmem>>
    %dma_start3A_159 = arith.constant 0 : i32
    %dma_start3A_160 = tpu.memref_slice %arg4[%add3A_153, %dma_start3A_159] : memref<204800x128xf32, #tpu.memory_space<hbm>> -> memref<128x128xf32, #tpu.memory_space<hbm>>
    %dma_start3A_161 = arith.constant 0 : i32
    %dma_start3A_162 = tpu.memref_slice %arg4[%add3A_153, %dma_start3A_161] : memref<204800x128xf32, #tpu.memory_space<hbm>> -> memref<128x128xf32, #tpu.memory_space<hbm>>
    %dma_start3A_163 = arith.constant 0 : i32
    %dma_start3A_164 = arith.constant 0 : i32
    %dma_start3A_165 = tpu.memref_slice %arg6[%dma_start3A_154, %dma_start3A_163, %dma_start3A_164] : memref<5x128x128xf32, #tpu.memory_space<vmem>> -> memref<1x128x128xf32, #tpu.memory_space<vmem>>
    %dma_start3A_166 = tpu.memref_squeeze %dma_start3A_165 : memref<1x128x128xf32, #tpu.memory_space<vmem>> -> memref<128x128xf32, #tpu.memory_space<vmem>>
    tpu.enqueue_dma source(%dma_start3A_166 : memref<128x128xf32, #tpu.memory_space<vmem>>) target(%dma_start3A_162 : memref<128x128xf32, #tpu.memory_space<hbm>>) target_semaphore(%arg14 : memref<!tpu.dma_semaphore, #tpu.memory_space<semaphore_mem>>)
    %dma_wait3A_167 = arith.constant 1 : i32
    %dma_wait3A_168 = arith.constant 0 : i32
    %dma_wait3A_169 = arith.constant 0 : i32
    %dma_wait3A_170 = tpu.memref_slice %arg6[%dma_wait3A_167, %dma_wait3A_168, %dma_wait3A_169] : memref<5x128x128xf32, #tpu.memory_space<vmem>> -> memref<1x128x128xf32, #tpu.memory_space<vmem>>
    %dma_wait3A_171 = tpu.memref_squeeze %dma_wait3A_170 : memref<1x128x128xf32, #tpu.memory_space<vmem>> -> memref<128x128xf32, #tpu.memory_space<vmem>>
    %dma_wait3A_172 = arith.constant 0 : i32
    %dma_wait3A_173 = tpu.memref_slice %arg4[%mul3A_2, %dma_wait3A_172] : memref<204800x128xf32, #tpu.memory_space<hbm>> -> memref<128x128xf32, #tpu.memory_space<hbm>>
    %dma_wait3A_174 = arith.constant 0 : i32
    %dma_wait3A_175 = tpu.memref_slice %arg4[%mul3A_2, %dma_wait3A_174] : memref<204800x128xf32, #tpu.memory_space<hbm>> -> memref<128x128xf32, #tpu.memory_space<hbm>>
    %dma_wait3A_176 = arith.constant 0 : i32
    %dma_wait3A_177 = arith.constant 0 : i32
    %dma_wait3A_178 = tpu.memref_slice %arg6[%dma_wait3A_167, %dma_wait3A_176, %dma_wait3A_177] : memref<5x128x128xf32, #tpu.memory_space<vmem>> -> memref<1x128x128xf32, #tpu.memory_space<vmem>>
    %dma_wait3A_179 = tpu.memref_squeeze %dma_wait3A_178 : memref<1x128x128xf32, #tpu.memory_space<vmem>> -> memref<128x128xf32, #tpu.memory_space<vmem>>
    tpu.wait_dma2 semaphore(%arg13 : memref<!tpu.dma_semaphore, #tpu.memory_space<semaphore_mem>>) src(%dma_wait3A_179 : memref<128x128xf32, #tpu.memory_space<vmem>>) dst(%dma_wait3A_175 : memref<128x128xf32, #tpu.memory_space<hbm>>)
    %dma_start3A_180 = arith.constant 6 : i32
    %dma_start3A_181 = arith.constant 1 : i32
    %dma_start3A_182 = arith.constant 0 : i32
    %dma_start3A_183 = arith.constant 0 : i32
    %dma_start3A_184 = tpu.memref_slice %arg6[%dma_start3A_181, %dma_start3A_182, %dma_start3A_183] : memref<5x128x128xf32, #tpu.memory_space<vmem>> -> memref<1x128x128xf32, #tpu.memory_space<vmem>>
    %dma_start3A_185 = tpu.memref_squeeze %dma_start3A_184 : memref<1x128x128xf32, #tpu.memory_space<vmem>> -> memref<128x128xf32, #tpu.memory_space<vmem>>
    %dma_start3A_186 = arith.constant 0 : i32
    %dma_start3A_187 = tpu.memref_slice %arg5[%dma_start3A_180, %dma_start3A_186] : memref<50x128xi32, #tpu.memory_space<vmem>> -> memref<1x128xi32, #tpu.memory_space<vmem>>
    %dma_start3A_188 = tpu.memref_squeeze %dma_start3A_187 : memref<1x128xi32, #tpu.memory_space<vmem>> -> memref<128xi32, #tpu.memory_space<vmem>>
    %dma_start3A_189 = arith.constant 0 : i32
    %dma_start3A_190 = arith.constant 0 : i32
    %dma_start3A_191 = tpu.memref_slice %arg2[%dma_start3A_189, %dma_start3A_190] : memref<100000x128xf32, #tpu.memory_space<hbm>> -> memref<100000x128xf32, #tpu.memory_space<hbm>>
    tpu.enqueue_indirect_dma source(%dma_start3A_191 : memref<100000x128xf32, #tpu.memory_space<hbm>>) target(%dma_start3A_185 : memref<128x128xf32, #tpu.memory_space<vmem>>) offsets(%dma_start3A_188 : memref<128xi32, #tpu.memory_space<vmem>>) semaphore(%arg8 : memref<!tpu.dma_semaphore, #tpu.memory_space<semaphore_mem>>)
    %dma_wait3A_192 = arith.constant 0 : i32
    %dma_wait3A_193 = arith.constant 3 : i32
    %dma_wait3A_194 = arith.constant 0 : i32
    %dma_wait3A_195 = arith.constant 0 : i32
    %dma_wait3A_196 = tpu.memref_slice %arg6[%dma_wait3A_193, %dma_wait3A_194, %dma_wait3A_195] : memref<5x128x128xf32, #tpu.memory_space<vmem>> -> memref<1x128x128xf32, #tpu.memory_space<vmem>>
    %dma_wait3A_197 = tpu.memref_squeeze %dma_wait3A_196 : memref<1x128x128xf32, #tpu.memory_space<vmem>> -> memref<128x128xf32, #tpu.memory_space<vmem>>
    %dma_wait3A_198 = arith.constant 0 : i32
    %dma_wait3A_199 = tpu.memref_slice %arg5[%dma_wait3A_192, %dma_wait3A_198] : memref<50x128xi32, #tpu.memory_space<vmem>> -> memref<1x128xi32, #tpu.memory_space<vmem>>
    %dma_wait3A_200 = tpu.memref_squeeze %dma_wait3A_199 : memref<1x128xi32, #tpu.memory_space<vmem>> -> memref<128xi32, #tpu.memory_space<vmem>>
    %dma_wait3A_201 = arith.constant 0 : i32
    %dma_wait3A_202 = arith.constant 0 : i32
    %dma_wait3A_203 = tpu.memref_slice %arg2[%dma_wait3A_201, %dma_wait3A_202] : memref<100000x128xf32, #tpu.memory_space<hbm>> -> memref<100000x128xf32, #tpu.memory_space<hbm>>
    tpu.wait_indirect_dma semaphore(%arg10 : memref<!tpu.dma_semaphore, #tpu.memory_space<semaphore_mem>>) src(%dma_wait3A_203 : memref<100000x128xf32, #tpu.memory_space<hbm>>) dst(%dma_wait3A_197 : memref<128x128xf32, #tpu.memory_space<vmem>>)
    %add3A_204 = arith.constant 384 : i32
    %add3A_205 = arith.addi %mul3A_2, %add3A_204 : i32
    %dma_start3A_206 = arith.constant 3 : i32
    %dma_start3A_207 = arith.constant 0 : i32
    %dma_start3A_208 = arith.constant 0 : i32
    %dma_start3A_209 = tpu.memref_slice %arg6[%dma_start3A_206, %dma_start3A_207, %dma_start3A_208] : memref<5x128x128xf32, #tpu.memory_space<vmem>> -> memref<1x128x128xf32, #tpu.memory_space<vmem>>
    %dma_start3A_210 = tpu.memref_squeeze %dma_start3A_209 : memref<1x128x128xf32, #tpu.memory_space<vmem>> -> memref<128x128xf32, #tpu.memory_space<vmem>>
    %dma_start3A_211 = arith.constant 0 : i32
    %dma_start3A_212 = tpu.memref_slice %arg4[%add3A_205, %dma_start3A_211] : memref<204800x128xf32, #tpu.memory_space<hbm>> -> memref<128x128xf32, #tpu.memory_space<hbm>>
    %dma_start3A_213 = arith.constant 0 : i32
    %dma_start3A_214 = tpu.memref_slice %arg4[%add3A_205, %dma_start3A_213] : memref<204800x128xf32, #tpu.memory_space<hbm>> -> memref<128x128xf32, #tpu.memory_space<hbm>>
    %dma_start3A_215 = arith.constant 0 : i32
    %dma_start3A_216 = arith.constant 0 : i32
    %dma_start3A_217 = tpu.memref_slice %arg6[%dma_start3A_206, %dma_start3A_215, %dma_start3A_216] : memref<5x128x128xf32, #tpu.memory_space<vmem>> -> memref<1x128x128xf32, #tpu.memory_space<vmem>>
    %dma_start3A_218 = tpu.memref_squeeze %dma_start3A_217 : memref<1x128x128xf32, #tpu.memory_space<vmem>> -> memref<128x128xf32, #tpu.memory_space<vmem>>
    tpu.enqueue_dma source(%dma_start3A_218 : memref<128x128xf32, #tpu.memory_space<vmem>>) target(%dma_start3A_214 : memref<128x128xf32, #tpu.memory_space<hbm>>) target_semaphore(%arg15 : memref<!tpu.dma_semaphore, #tpu.memory_space<semaphore_mem>>)
    %dma_wait3A_219 = arith.constant 2 : i32
    %dma_wait3A_220 = arith.constant 0 : i32
    %dma_wait3A_221 = arith.constant 0 : i32
    %dma_wait3A_222 = tpu.memref_slice %arg6[%dma_wait3A_219, %dma_wait3A_220, %dma_wait3A_221] : memref<5x128x128xf32, #tpu.memory_space<vmem>> -> memref<1x128x128xf32, #tpu.memory_space<vmem>>
    %dma_wait3A_223 = tpu.memref_squeeze %dma_wait3A_222 : memref<1x128x128xf32, #tpu.memory_space<vmem>> -> memref<128x128xf32, #tpu.memory_space<vmem>>
    %dma_wait3A_224 = arith.constant 0 : i32
    %dma_wait3A_225 = tpu.memref_slice %arg4[%mul3A_2, %dma_wait3A_224] : memref<204800x128xf32, #tpu.memory_space<hbm>> -> memref<128x128xf32, #tpu.memory_space<hbm>>
    %dma_wait3A_226 = arith.constant 0 : i32
    %dma_wait3A_227 = tpu.memref_slice %arg4[%mul3A_2, %dma_wait3A_226] : memref<204800x128xf32, #tpu.memory_space<hbm>> -> memref<128x128xf32, #tpu.memory_space<hbm>>
    %dma_wait3A_228 = arith.constant 0 : i32
    %dma_wait3A_229 = arith.constant 0 : i32
    %dma_wait3A_230 = tpu.memref_slice %arg6[%dma_wait3A_219, %dma_wait3A_228, %dma_wait3A_229] : memref<5x128x128xf32, #tpu.memory_space<vmem>> -> memref<1x128x128xf32, #tpu.memory_space<vmem>>
    %dma_wait3A_231 = tpu.memref_squeeze %dma_wait3A_230 : memref<1x128x128xf32, #tpu.memory_space<vmem>> -> memref<128x128xf32, #tpu.memory_space<vmem>>
    tpu.wait_dma2 semaphore(%arg14 : memref<!tpu.dma_semaphore, #tpu.memory_space<semaphore_mem>>) src(%dma_wait3A_231 : memref<128x128xf32, #tpu.memory_space<vmem>>) dst(%dma_wait3A_227 : memref<128x128xf32, #tpu.memory_space<hbm>>)
    %dma_start3A_232 = arith.constant 7 : i32
    %dma_start3A_233 = arith.constant 2 : i32
    %dma_start3A_234 = arith.constant 0 : i32
    %dma_start3A_235 = arith.constant 0 : i32
    %dma_start3A_236 = tpu.memref_slice %arg6[%dma_start3A_233, %dma_start3A_234, %dma_start3A_235] : memref<5x128x128xf32, #tpu.memory_space<vmem>> -> memref<1x128x128xf32, #tpu.memory_space<vmem>>
    %dma_start3A_237 = tpu.memref_squeeze %dma_start3A_236 : memref<1x128x128xf32, #tpu.memory_space<vmem>> -> memref<128x128xf32, #tpu.memory_space<vmem>>
    %dma_start3A_238 = arith.constant 0 : i32
    %dma_start3A_239 = tpu.memref_slice %arg5[%dma_start3A_232, %dma_start3A_238] : memref<50x128xi32, #tpu.memory_space<vmem>> -> memref<1x128xi32, #tpu.memory_space<vmem>>
    %dma_start3A_240 = tpu.memref_squeeze %dma_start3A_239 : memref<1x128xi32, #tpu.memory_space<vmem>> -> memref<128xi32, #tpu.memory_space<vmem>>
    %dma_start3A_241 = arith.constant 0 : i32
    %dma_start3A_242 = arith.constant 0 : i32
    %dma_start3A_243 = tpu.memref_slice %arg2[%dma_start3A_241, %dma_start3A_242] : memref<100000x128xf32, #tpu.memory_space<hbm>> -> memref<100000x128xf32, #tpu.memory_space<hbm>>
    tpu.enqueue_indirect_dma source(%dma_start3A_243 : memref<100000x128xf32, #tpu.memory_space<hbm>>) target(%dma_start3A_237 : memref<128x128xf32, #tpu.memory_space<vmem>>) offsets(%dma_start3A_240 : memref<128xi32, #tpu.memory_space<vmem>>) semaphore(%arg9 : memref<!tpu.dma_semaphore, #tpu.memory_space<semaphore_mem>>)
    %dma_wait3A_244 = arith.constant 0 : i32
    %dma_wait3A_245 = arith.constant 4 : i32
    %dma_wait3A_246 = arith.constant 0 : i32
    %dma_wait3A_247 = arith.constant 0 : i32
    %dma_wait3A_248 = tpu.memref_slice %arg6[%dma_wait3A_245, %dma_wait3A_246, %dma_wait3A_247] : memref<5x128x128xf32, #tpu.memory_space<vmem>> -> memref<1x128x128xf32, #tpu.memory_space<vmem>>
    %dma_wait3A_249 = tpu.memref_squeeze %dma_wait3A_248 : memref<1x128x128xf32, #tpu.memory_space<vmem>> -> memref<128x128xf32, #tpu.memory_space<vmem>>
    %dma_wait3A_250 = arith.constant 0 : i32
    %dma_wait3A_251 = tpu.memref_slice %arg5[%dma_wait3A_244, %dma_wait3A_250] : memref<50x128xi32, #tpu.memory_space<vmem>> -> memref<1x128xi32, #tpu.memory_space<vmem>>
    %dma_wait3A_252 = tpu.memref_squeeze %dma_wait3A_251 : memref<1x128xi32, #tpu.memory_space<vmem>> -> memref<128xi32, #tpu.memory_space<vmem>>
    %dma_wait3A_253 = arith.constant 0 : i32
    %dma_wait3A_254 = arith.constant 0 : i32
    %dma_wait3A_255 = tpu.memref_slice %arg2[%dma_wait3A_253, %dma_wait3A_254] : memref<100000x128xf32, #tpu.memory_space<hbm>> -> memref<100000x128xf32, #tpu.memory_space<hbm>>
    tpu.wait_indirect_dma semaphore(%arg11 : memref<!tpu.dma_semaphore, #tpu.memory_space<semaphore_mem>>) src(%dma_wait3A_255 : memref<100000x128xf32, #tpu.memory_space<hbm>>) dst(%dma_wait3A_249 : memref<128x128xf32, #tpu.memory_space<vmem>>)
    %add3A_256 = arith.constant 512 : i32
    %add3A_257 = arith.addi %mul3A_2, %add3A_256 : i32
    %dma_start3A_258 = arith.constant 4 : i32
    %dma_start3A_259 = arith.constant 0 : i32
    %dma_start3A_260 = arith.constant 0 : i32
    %dma_start3A_261 = tpu.memref_slice %arg6[%dma_start3A_258, %dma_start3A_259, %dma_start3A_260] : memref<5x128x128xf32, #tpu.memory_space<vmem>> -> memref<1x128x128xf32, #tpu.memory_space<vmem>>
    %dma_start3A_262 = tpu.memref_squeeze %dma_start3A_261 : memref<1x128x128xf32, #tpu.memory_space<vmem>> -> memref<128x128xf32, #tpu.memory_space<vmem>>
    %dma_start3A_263 = arith.constant 0 : i32
    %dma_start3A_264 = tpu.memref_slice %arg4[%add3A_257, %dma_start3A_263] : memref<204800x128xf32, #tpu.memory_space<hbm>> -> memref<128x128xf32, #tpu.memory_space<hbm>>
    %dma_start3A_265 = arith.constant 0 : i32
    %dma_start3A_266 = tpu.memref_slice %arg4[%add3A_257, %dma_start3A_265] : memref<204800x128xf32, #tpu.memory_space<hbm>> -> memref<128x128xf32, #tpu.memory_space<hbm>>
    %dma_start3A_267 = arith.constant 0 : i32
    %dma_start3A_268 = arith.constant 0 : i32
    %dma_start3A_269 = tpu.memref_slice %arg6[%dma_start3A_258, %dma_start3A_267, %dma_start3A_268] : memref<5x128x128xf32, #tpu.memory_space<vmem>> -> memref<1x128x128xf32, #tpu.memory_space<vmem>>
    %dma_start3A_270 = tpu.memref_squeeze %dma_start3A_269 : memref<1x128x128xf32, #tpu.memory_space<vmem>> -> memref<128x128xf32, #tpu.memory_space<vmem>>
    tpu.enqueue_dma source(%dma_start3A_270 : memref<128x128xf32, #tpu.memory_space<vmem>>) target(%dma_start3A_266 : memref<128x128xf32, #tpu.memory_space<hbm>>) target_semaphore(%arg16 : memref<!tpu.dma_semaphore, #tpu.memory_space<semaphore_mem>>)
    %scan3A = arith.constant 1 : i32
    %scan3A_271 = arith.constant 8 : i32
    %scan3A_272 = arith.addi %scan3A, %scan3A_271 : i32
    %scan3A_273 = arith.constant 1 : i32
    scf.for %scan3A_525 = %scan3A to %scan3A_272 step %scan3A_273  : i32 {
      %mul3A_526 = arith.constant 5 : i32
      %mul3A_527 = arith.muli %scan3A_525, %mul3A_526 : i32
      %add3A_528 = arith.constant 0 : i32
      %add3A_529 = arith.addi %mul3A_527, %add3A_528 : i32
      %dma_wait3A_530 = arith.constant 3 : i32
      %dma_wait3A_531 = arith.constant 0 : i32
      %dma_wait3A_532 = arith.constant 0 : i32
      %dma_wait3A_533 = tpu.memref_slice %arg6[%dma_wait3A_530, %dma_wait3A_531, %dma_wait3A_532] : memref<5x128x128xf32, #tpu.memory_space<vmem>> -> memref<1x128x128xf32, #tpu.memory_space<vmem>>
      %dma_wait3A_534 = tpu.memref_squeeze %dma_wait3A_533 : memref<1x128x128xf32, #tpu.memory_space<vmem>> -> memref<128x128xf32, #tpu.memory_space<vmem>>
      %dma_wait3A_535 = arith.constant 0 : i32
      %dma_wait3A_536 = tpu.memref_slice %arg4[%mul3A_2, %dma_wait3A_535] : memref<204800x128xf32, #tpu.memory_space<hbm>> -> memref<128x128xf32, #tpu.memory_space<hbm>>
      %dma_wait3A_537 = arith.constant 0 : i32
      %dma_wait3A_538 = tpu.memref_slice %arg4[%mul3A_2, %dma_wait3A_537] : memref<204800x128xf32, #tpu.memory_space<hbm>> -> memref<128x128xf32, #tpu.memory_space<hbm>>
      %dma_wait3A_539 = arith.constant 0 : i32
      %dma_wait3A_540 = arith.constant 0 : i32
      %dma_wait3A_541 = tpu.memref_slice %arg6[%dma_wait3A_530, %dma_wait3A_539, %dma_wait3A_540] : memref<5x128x128xf32, #tpu.memory_space<vmem>> -> memref<1x128x128xf32, #tpu.memory_space<vmem>>
      %dma_wait3A_542 = tpu.memref_squeeze %dma_wait3A_541 : memref<1x128x128xf32, #tpu.memory_space<vmem>> -> memref<128x128xf32, #tpu.memory_space<vmem>>
      tpu.wait_dma2 semaphore(%arg15 : memref<!tpu.dma_semaphore, #tpu.memory_space<semaphore_mem>>) src(%dma_wait3A_542 : memref<128x128xf32, #tpu.memory_space<vmem>>) dst(%dma_wait3A_538 : memref<128x128xf32, #tpu.memory_space<hbm>>)
      %add3A_543 = arith.constant 3 : i32
      %add3A_544 = arith.addi %add3A_529, %add3A_543 : i32
      %dma_start3A_545 = arith.constant 3 : i32
      %dma_start3A_546 = arith.constant 0 : i32
      %dma_start3A_547 = arith.constant 0 : i32
      %dma_start3A_548 = tpu.memref_slice %arg6[%dma_start3A_545, %dma_start3A_546, %dma_start3A_547] : memref<5x128x128xf32, #tpu.memory_space<vmem>> -> memref<1x128x128xf32, #tpu.memory_space<vmem>>
      %dma_start3A_549 = tpu.memref_squeeze %dma_start3A_548 : memref<1x128x128xf32, #tpu.memory_space<vmem>> -> memref<128x128xf32, #tpu.memory_space<vmem>>
      %dma_start3A_550 = arith.constant 0 : i32
      %dma_start3A_551 = tpu.memref_slice %arg5[%add3A_544, %dma_start3A_550] : memref<50x128xi32, #tpu.memory_space<vmem>> -> memref<1x128xi32, #tpu.memory_space<vmem>>
      %dma_start3A_552 = tpu.memref_squeeze %dma_start3A_551 : memref<1x128xi32, #tpu.memory_space<vmem>> -> memref<128xi32, #tpu.memory_space<vmem>>
      %dma_start3A_553 = arith.constant 0 : i32
      %dma_start3A_554 = arith.constant 0 : i32
      %dma_start3A_555 = tpu.memref_slice %arg2[%dma_start3A_553, %dma_start3A_554] : memref<100000x128xf32, #tpu.memory_space<hbm>> -> memref<100000x128xf32, #tpu.memory_space<hbm>>
      tpu.enqueue_indirect_dma source(%dma_start3A_555 : memref<100000x128xf32, #tpu.memory_space<hbm>>) target(%dma_start3A_549 : memref<128x128xf32, #tpu.memory_space<vmem>>) offsets(%dma_start3A_552 : memref<128xi32, #tpu.memory_space<vmem>>) semaphore(%arg10 : memref<!tpu.dma_semaphore, #tpu.memory_space<semaphore_mem>>)
      %dma_wait3A_556 = arith.constant 0 : i32
      %dma_wait3A_557 = arith.constant 0 : i32
      %dma_wait3A_558 = arith.constant 0 : i32
      %dma_wait3A_559 = arith.constant 0 : i32
      %dma_wait3A_560 = tpu.memref_slice %arg6[%dma_wait3A_557, %dma_wait3A_558, %dma_wait3A_559] : memref<5x128x128xf32, #tpu.memory_space<vmem>> -> memref<1x128x128xf32, #tpu.memory_space<vmem>>
      %dma_wait3A_561 = tpu.memref_squeeze %dma_wait3A_560 : memref<1x128x128xf32, #tpu.memory_space<vmem>> -> memref<128x128xf32, #tpu.memory_space<vmem>>
      %dma_wait3A_562 = arith.constant 0 : i32
      %dma_wait3A_563 = tpu.memref_slice %arg5[%dma_wait3A_556, %dma_wait3A_562] : memref<50x128xi32, #tpu.memory_space<vmem>> -> memref<1x128xi32, #tpu.memory_space<vmem>>
      %dma_wait3A_564 = tpu.memref_squeeze %dma_wait3A_563 : memref<1x128xi32, #tpu.memory_space<vmem>> -> memref<128xi32, #tpu.memory_space<vmem>>
      %dma_wait3A_565 = arith.constant 0 : i32
      %dma_wait3A_566 = arith.constant 0 : i32
      %dma_wait3A_567 = tpu.memref_slice %arg2[%dma_wait3A_565, %dma_wait3A_566] : memref<100000x128xf32, #tpu.memory_space<hbm>> -> memref<100000x128xf32, #tpu.memory_space<hbm>>
      tpu.wait_indirect_dma semaphore(%arg7 : memref<!tpu.dma_semaphore, #tpu.memory_space<semaphore_mem>>) src(%dma_wait3A_567 : memref<100000x128xf32, #tpu.memory_space<hbm>>) dst(%dma_wait3A_561 : memref<128x128xf32, #tpu.memory_space<vmem>>)
      %mul3A_568 = arith.constant 128 : i32
      %mul3A_569 = arith.muli %add3A_529, %mul3A_568 : i32
      %add3A_570 = arith.addi %mul3A_2, %mul3A_569 : i32
      %dma_start3A_571 = arith.constant 0 : i32
      %dma_start3A_572 = arith.constant 0 : i32
      %dma_start3A_573 = arith.constant 0 : i32
      %dma_start3A_574 = tpu.memref_slice %arg6[%dma_start3A_571, %dma_start3A_572, %dma_start3A_573] : memref<5x128x128xf32, #tpu.memory_space<vmem>> -> memref<1x128x128xf32, #tpu.memory_space<vmem>>
      %dma_start3A_575 = tpu.memref_squeeze %dma_start3A_574 : memref<1x128x128xf32, #tpu.memory_space<vmem>> -> memref<128x128xf32, #tpu.memory_space<vmem>>
      %dma_start3A_576 = arith.constant 0 : i32
      %dma_start3A_577 = tpu.memref_slice %arg4[%add3A_570, %dma_start3A_576] : memref<204800x128xf32, #tpu.memory_space<hbm>> -> memref<128x128xf32, #tpu.memory_space<hbm>>
      %dma_start3A_578 = arith.constant 0 : i32
      %dma_start3A_579 = tpu.memref_slice %arg4[%add3A_570, %dma_start3A_578] : memref<204800x128xf32, #tpu.memory_space<hbm>> -> memref<128x128xf32, #tpu.memory_space<hbm>>
      %dma_start3A_580 = arith.constant 0 : i32
      %dma_start3A_581 = arith.constant 0 : i32
      %dma_start3A_582 = tpu.memref_slice %arg6[%dma_start3A_571, %dma_start3A_580, %dma_start3A_581] : memref<5x128x128xf32, #tpu.memory_space<vmem>> -> memref<1x128x128xf32, #tpu.memory_space<vmem>>
      %dma_start3A_583 = tpu.memref_squeeze %dma_start3A_582 : memref<1x128x128xf32, #tpu.memory_space<vmem>> -> memref<128x128xf32, #tpu.memory_space<vmem>>
      tpu.enqueue_dma source(%dma_start3A_583 : memref<128x128xf32, #tpu.memory_space<vmem>>) target(%dma_start3A_579 : memref<128x128xf32, #tpu.memory_space<hbm>>) target_semaphore(%arg12 : memref<!tpu.dma_semaphore, #tpu.memory_space<semaphore_mem>>)
      %mul3A_584 = arith.constant 5 : i32
      %mul3A_585 = arith.muli %scan3A_525, %mul3A_584 : i32
      %add3A_586 = arith.constant 1 : i32
      %add3A_587 = arith.addi %mul3A_585, %add3A_586 : i32
      %dma_wait3A_588 = arith.constant 4 : i32
      %dma_wait3A_589 = arith.constant 0 : i32
      %dma_wait3A_590 = arith.constant 0 : i32
      %dma_wait3A_591 = tpu.memref_slice %arg6[%dma_wait3A_588, %dma_wait3A_589, %dma_wait3A_590] : memref<5x128x128xf32, #tpu.memory_space<vmem>> -> memref<1x128x128xf32, #tpu.memory_space<vmem>>
      %dma_wait3A_592 = tpu.memref_squeeze %dma_wait3A_591 : memref<1x128x128xf32, #tpu.memory_space<vmem>> -> memref<128x128xf32, #tpu.memory_space<vmem>>
      %dma_wait3A_593 = arith.constant 0 : i32
      %dma_wait3A_594 = tpu.memref_slice %arg4[%mul3A_2, %dma_wait3A_593] : memref<204800x128xf32, #tpu.memory_space<hbm>> -> memref<128x128xf32, #tpu.memory_space<hbm>>
      %dma_wait3A_595 = arith.constant 0 : i32
      %dma_wait3A_596 = tpu.memref_slice %arg4[%mul3A_2, %dma_wait3A_595] : memref<204800x128xf32, #tpu.memory_space<hbm>> -> memref<128x128xf32, #tpu.memory_space<hbm>>
      %dma_wait3A_597 = arith.constant 0 : i32
      %dma_wait3A_598 = arith.constant 0 : i32
      %dma_wait3A_599 = tpu.memref_slice %arg6[%dma_wait3A_588, %dma_wait3A_597, %dma_wait3A_598] : memref<5x128x128xf32, #tpu.memory_space<vmem>> -> memref<1x128x128xf32, #tpu.memory_space<vmem>>
      %dma_wait3A_600 = tpu.memref_squeeze %dma_wait3A_599 : memref<1x128x128xf32, #tpu.memory_space<vmem>> -> memref<128x128xf32, #tpu.memory_space<vmem>>
      tpu.wait_dma2 semaphore(%arg16 : memref<!tpu.dma_semaphore, #tpu.memory_space<semaphore_mem>>) src(%dma_wait3A_600 : memref<128x128xf32, #tpu.memory_space<vmem>>) dst(%dma_wait3A_596 : memref<128x128xf32, #tpu.memory_space<hbm>>)
      %add3A_601 = arith.constant 3 : i32
      %add3A_602 = arith.addi %add3A_587, %add3A_601 : i32
      %dma_start3A_603 = arith.constant 4 : i32
      %dma_start3A_604 = arith.constant 0 : i32
      %dma_start3A_605 = arith.constant 0 : i32
      %dma_start3A_606 = tpu.memref_slice %arg6[%dma_start3A_603, %dma_start3A_604, %dma_start3A_605] : memref<5x128x128xf32, #tpu.memory_space<vmem>> -> memref<1x128x128xf32, #tpu.memory_space<vmem>>
      %dma_start3A_607 = tpu.memref_squeeze %dma_start3A_606 : memref<1x128x128xf32, #tpu.memory_space<vmem>> -> memref<128x128xf32, #tpu.memory_space<vmem>>
      %dma_start3A_608 = arith.constant 0 : i32
      %dma_start3A_609 = tpu.memref_slice %arg5[%add3A_602, %dma_start3A_608] : memref<50x128xi32, #tpu.memory_space<vmem>> -> memref<1x128xi32, #tpu.memory_space<vmem>>
      %dma_start3A_610 = tpu.memref_squeeze %dma_start3A_609 : memref<1x128xi32, #tpu.memory_space<vmem>> -> memref<128xi32, #tpu.memory_space<vmem>>
      %dma_start3A_611 = arith.constant 0 : i32
      %dma_start3A_612 = arith.constant 0 : i32
      %dma_start3A_613 = tpu.memref_slice %arg2[%dma_start3A_611, %dma_start3A_612] : memref<100000x128xf32, #tpu.memory_space<hbm>> -> memref<100000x128xf32, #tpu.memory_space<hbm>>
      tpu.enqueue_indirect_dma source(%dma_start3A_613 : memref<100000x128xf32, #tpu.memory_space<hbm>>) target(%dma_start3A_607 : memref<128x128xf32, #tpu.memory_space<vmem>>) offsets(%dma_start3A_610 : memref<128xi32, #tpu.memory_space<vmem>>) semaphore(%arg11 : memref<!tpu.dma_semaphore, #tpu.memory_space<semaphore_mem>>)
      %dma_wait3A_614 = arith.constant 0 : i32
      %dma_wait3A_615 = arith.constant 1 : i32
      %dma_wait3A_616 = arith.constant 0 : i32
      %dma_wait3A_617 = arith.constant 0 : i32
      %dma_wait3A_618 = tpu.memref_slice %arg6[%dma_wait3A_615, %dma_wait3A_616, %dma_wait3A_617] : memref<5x128x128xf32, #tpu.memory_space<vmem>> -> memref<1x128x128xf32, #tpu.memory_space<vmem>>
      %dma_wait3A_619 = tpu.memref_squeeze %dma_wait3A_618 : memref<1x128x128xf32, #tpu.memory_space<vmem>> -> memref<128x128xf32, #tpu.memory_space<vmem>>
      %dma_wait3A_620 = arith.constant 0 : i32
      %dma_wait3A_621 = tpu.memref_slice %arg5[%dma_wait3A_614, %dma_wait3A_620] : memref<50x128xi32, #tpu.memory_space<vmem>> -> memref<1x128xi32, #tpu.memory_space<vmem>>
      %dma_wait3A_622 = tpu.memref_squeeze %dma_wait3A_621 : memref<1x128xi32, #tpu.memory_space<vmem>> -> memref<128xi32, #tpu.memory_space<vmem>>
      %dma_wait3A_623 = arith.constant 0 : i32
      %dma_wait3A_624 = arith.constant 0 : i32
      %dma_wait3A_625 = tpu.memref_slice %arg2[%dma_wait3A_623, %dma_wait3A_624] : memref<100000x128xf32, #tpu.memory_space<hbm>> -> memref<100000x128xf32, #tpu.memory_space<hbm>>
      tpu.wait_indirect_dma semaphore(%arg8 : memref<!tpu.dma_semaphore, #tpu.memory_space<semaphore_mem>>) src(%dma_wait3A_625 : memref<100000x128xf32, #tpu.memory_space<hbm>>) dst(%dma_wait3A_619 : memref<128x128xf32, #tpu.memory_space<vmem>>)
      %mul3A_626 = arith.constant 128 : i32
      %mul3A_627 = arith.muli %add3A_587, %mul3A_626 : i32
      %add3A_628 = arith.addi %mul3A_2, %mul3A_627 : i32
      %dma_start3A_629 = arith.constant 1 : i32
      %dma_start3A_630 = arith.constant 0 : i32
      %dma_start3A_631 = arith.constant 0 : i32
      %dma_start3A_632 = tpu.memref_slice %arg6[%dma_start3A_629, %dma_start3A_630, %dma_start3A_631] : memref<5x128x128xf32, #tpu.memory_space<vmem>> -> memref<1x128x128xf32, #tpu.memory_space<vmem>>
      %dma_start3A_633 = tpu.memref_squeeze %dma_start3A_632 : memref<1x128x128xf32, #tpu.memory_space<vmem>> -> memref<128x128xf32, #tpu.memory_space<vmem>>
      %dma_start3A_634 = arith.constant 0 : i32
      %dma_start3A_635 = tpu.memref_slice %arg4[%add3A_628, %dma_start3A_634] : memref<204800x128xf32, #tpu.memory_space<hbm>> -> memref<128x128xf32, #tpu.memory_space<hbm>>
      %dma_start3A_636 = arith.constant 0 : i32
      %dma_start3A_637 = tpu.memref_slice %arg4[%add3A_628, %dma_start3A_636] : memref<204800x128xf32, #tpu.memory_space<hbm>> -> memref<128x128xf32, #tpu.memory_space<hbm>>
      %dma_start3A_638 = arith.constant 0 : i32
      %dma_start3A_639 = arith.constant 0 : i32
      %dma_start3A_640 = tpu.memref_slice %arg6[%dma_start3A_629, %dma_start3A_638, %dma_start3A_639] : memref<5x128x128xf32, #tpu.memory_space<vmem>> -> memref<1x128x128xf32, #tpu.memory_space<vmem>>
      %dma_start3A_641 = tpu.memref_squeeze %dma_start3A_640 : memref<1x128x128xf32, #tpu.memory_space<vmem>> -> memref<128x128xf32, #tpu.memory_space<vmem>>
      tpu.enqueue_dma source(%dma_start3A_641 : memref<128x128xf32, #tpu.memory_space<vmem>>) target(%dma_start3A_637 : memref<128x128xf32, #tpu.memory_space<hbm>>) target_semaphore(%arg13 : memref<!tpu.dma_semaphore, #tpu.memory_space<semaphore_mem>>)
      %mul3A_642 = arith.constant 5 : i32
      %mul3A_643 = arith.muli %scan3A_525, %mul3A_642 : i32
      %add3A_644 = arith.constant 2 : i32
      %add3A_645 = arith.addi %mul3A_643, %add3A_644 : i32
      %dma_wait3A_646 = arith.constant 0 : i32
      %dma_wait3A_647 = arith.constant 0 : i32
      %dma_wait3A_648 = arith.constant 0 : i32
      %dma_wait3A_649 = tpu.memref_slice %arg6[%dma_wait3A_646, %dma_wait3A_647, %dma_wait3A_648] : memref<5x128x128xf32, #tpu.memory_space<vmem>> -> memref<1x128x128xf32, #tpu.memory_space<vmem>>
      %dma_wait3A_650 = tpu.memref_squeeze %dma_wait3A_649 : memref<1x128x128xf32, #tpu.memory_space<vmem>> -> memref<128x128xf32, #tpu.memory_space<vmem>>
      %dma_wait3A_651 = arith.constant 0 : i32
      %dma_wait3A_652 = tpu.memref_slice %arg4[%mul3A_2, %dma_wait3A_651] : memref<204800x128xf32, #tpu.memory_space<hbm>> -> memref<128x128xf32, #tpu.memory_space<hbm>>
      %dma_wait3A_653 = arith.constant 0 : i32
      %dma_wait3A_654 = tpu.memref_slice %arg4[%mul3A_2, %dma_wait3A_653] : memref<204800x128xf32, #tpu.memory_space<hbm>> -> memref<128x128xf32, #tpu.memory_space<hbm>>
      %dma_wait3A_655 = arith.constant 0 : i32
      %dma_wait3A_656 = arith.constant 0 : i32
      %dma_wait3A_657 = tpu.memref_slice %arg6[%dma_wait3A_646, %dma_wait3A_655, %dma_wait3A_656] : memref<5x128x128xf32, #tpu.memory_space<vmem>> -> memref<1x128x128xf32, #tpu.memory_space<vmem>>
      %dma_wait3A_658 = tpu.memref_squeeze %dma_wait3A_657 : memref<1x128x128xf32, #tpu.memory_space<vmem>> -> memref<128x128xf32, #tpu.memory_space<vmem>>
      tpu.wait_dma2 semaphore(%arg12 : memref<!tpu.dma_semaphore, #tpu.memory_space<semaphore_mem>>) src(%dma_wait3A_658 : memref<128x128xf32, #tpu.memory_space<vmem>>) dst(%dma_wait3A_654 : memref<128x128xf32, #tpu.memory_space<hbm>>)
      %add3A_659 = arith.constant 3 : i32
      %add3A_660 = arith.addi %add3A_645, %add3A_659 : i32
      %dma_start3A_661 = arith.constant 0 : i32
      %dma_start3A_662 = arith.constant 0 : i32
      %dma_start3A_663 = arith.constant 0 : i32
      %dma_start3A_664 = tpu.memref_slice %arg6[%dma_start3A_661, %dma_start3A_662, %dma_start3A_663] : memref<5x128x128xf32, #tpu.memory_space<vmem>> -> memref<1x128x128xf32, #tpu.memory_space<vmem>>
      %dma_start3A_665 = tpu.memref_squeeze %dma_start3A_664 : memref<1x128x128xf32, #tpu.memory_space<vmem>> -> memref<128x128xf32, #tpu.memory_space<vmem>>
      %dma_start3A_666 = arith.constant 0 : i32
      %dma_start3A_667 = tpu.memref_slice %arg5[%add3A_660, %dma_start3A_666] : memref<50x128xi32, #tpu.memory_space<vmem>> -> memref<1x128xi32, #tpu.memory_space<vmem>>
      %dma_start3A_668 = tpu.memref_squeeze %dma_start3A_667 : memref<1x128xi32, #tpu.memory_space<vmem>> -> memref<128xi32, #tpu.memory_space<vmem>>
      %dma_start3A_669 = arith.constant 0 : i32
      %dma_start3A_670 = arith.constant 0 : i32
      %dma_start3A_671 = tpu.memref_slice %arg2[%dma_start3A_669, %dma_start3A_670] : memref<100000x128xf32, #tpu.memory_space<hbm>> -> memref<100000x128xf32, #tpu.memory_space<hbm>>
      tpu.enqueue_indirect_dma source(%dma_start3A_671 : memref<100000x128xf32, #tpu.memory_space<hbm>>) target(%dma_start3A_665 : memref<128x128xf32, #tpu.memory_space<vmem>>) offsets(%dma_start3A_668 : memref<128xi32, #tpu.memory_space<vmem>>) semaphore(%arg7 : memref<!tpu.dma_semaphore, #tpu.memory_space<semaphore_mem>>)
      %dma_wait3A_672 = arith.constant 0 : i32
      %dma_wait3A_673 = arith.constant 2 : i32
      %dma_wait3A_674 = arith.constant 0 : i32
      %dma_wait3A_675 = arith.constant 0 : i32
      %dma_wait3A_676 = tpu.memref_slice %arg6[%dma_wait3A_673, %dma_wait3A_674, %dma_wait3A_675] : memref<5x128x128xf32, #tpu.memory_space<vmem>> -> memref<1x128x128xf32, #tpu.memory_space<vmem>>
      %dma_wait3A_677 = tpu.memref_squeeze %dma_wait3A_676 : memref<1x128x128xf32, #tpu.memory_space<vmem>> -> memref<128x128xf32, #tpu.memory_space<vmem>>
      %dma_wait3A_678 = arith.constant 0 : i32
      %dma_wait3A_679 = tpu.memref_slice %arg5[%dma_wait3A_672, %dma_wait3A_678] : memref<50x128xi32, #tpu.memory_space<vmem>> -> memref<1x128xi32, #tpu.memory_space<vmem>>
      %dma_wait3A_680 = tpu.memref_squeeze %dma_wait3A_679 : memref<1x128xi32, #tpu.memory_space<vmem>> -> memref<128xi32, #tpu.memory_space<vmem>>
      %dma_wait3A_681 = arith.constant 0 : i32
      %dma_wait3A_682 = arith.constant 0 : i32
      %dma_wait3A_683 = tpu.memref_slice %arg2[%dma_wait3A_681, %dma_wait3A_682] : memref<100000x128xf32, #tpu.memory_space<hbm>> -> memref<100000x128xf32, #tpu.memory_space<hbm>>
      tpu.wait_indirect_dma semaphore(%arg9 : memref<!tpu.dma_semaphore, #tpu.memory_space<semaphore_mem>>) src(%dma_wait3A_683 : memref<100000x128xf32, #tpu.memory_space<hbm>>) dst(%dma_wait3A_677 : memref<128x128xf32, #tpu.memory_space<vmem>>)
      %mul3A_684 = arith.constant 128 : i32
      %mul3A_685 = arith.muli %add3A_645, %mul3A_684 : i32
      %add3A_686 = arith.addi %mul3A_2, %mul3A_685 : i32
      %dma_start3A_687 = arith.constant 2 : i32
      %dma_start3A_688 = arith.constant 0 : i32
      %dma_start3A_689 = arith.constant 0 : i32
      %dma_start3A_690 = tpu.memref_slice %arg6[%dma_start3A_687, %dma_start3A_688, %dma_start3A_689] : memref<5x128x128xf32, #tpu.memory_space<vmem>> -> memref<1x128x128xf32, #tpu.memory_space<vmem>>
      %dma_start3A_691 = tpu.memref_squeeze %dma_start3A_690 : memref<1x128x128xf32, #tpu.memory_space<vmem>> -> memref<128x128xf32, #tpu.memory_space<vmem>>
      %dma_start3A_692 = arith.constant 0 : i32
      %dma_start3A_693 = tpu.memref_slice %arg4[%add3A_686, %dma_start3A_692] : memref<204800x128xf32, #tpu.memory_space<hbm>> -> memref<128x128xf32, #tpu.memory_space<hbm>>
      %dma_start3A_694 = arith.constant 0 : i32
      %dma_start3A_695 = tpu.memref_slice %arg4[%add3A_686, %dma_start3A_694] : memref<204800x128xf32, #tpu.memory_space<hbm>> -> memref<128x128xf32, #tpu.memory_space<hbm>>
      %dma_start3A_696 = arith.constant 0 : i32
      %dma_start3A_697 = arith.constant 0 : i32
      %dma_start3A_698 = tpu.memref_slice %arg6[%dma_start3A_687, %dma_start3A_696, %dma_start3A_697] : memref<5x128x128xf32, #tpu.memory_space<vmem>> -> memref<1x128x128xf32, #tpu.memory_space<vmem>>
      %dma_start3A_699 = tpu.memref_squeeze %dma_start3A_698 : memref<1x128x128xf32, #tpu.memory_space<vmem>> -> memref<128x128xf32, #tpu.memory_space<vmem>>
      tpu.enqueue_dma source(%dma_start3A_699 : memref<128x128xf32, #tpu.memory_space<vmem>>) target(%dma_start3A_695 : memref<128x128xf32, #tpu.memory_space<hbm>>) target_semaphore(%arg14 : memref<!tpu.dma_semaphore, #tpu.memory_space<semaphore_mem>>)
      %mul3A_700 = arith.constant 5 : i32
      %mul3A_701 = arith.muli %scan3A_525, %mul3A_700 : i32
      %add3A_702 = arith.constant 3 : i32
      %add3A_703 = arith.addi %mul3A_701, %add3A_702 : i32
      %dma_wait3A_704 = arith.constant 1 : i32
      %dma_wait3A_705 = arith.constant 0 : i32
      %dma_wait3A_706 = arith.constant 0 : i32
      %dma_wait3A_707 = tpu.memref_slice %arg6[%dma_wait3A_704, %dma_wait3A_705, %dma_wait3A_706] : memref<5x128x128xf32, #tpu.memory_space<vmem>> -> memref<1x128x128xf32, #tpu.memory_space<vmem>>
      %dma_wait3A_708 = tpu.memref_squeeze %dma_wait3A_707 : memref<1x128x128xf32, #tpu.memory_space<vmem>> -> memref<128x128xf32, #tpu.memory_space<vmem>>
      %dma_wait3A_709 = arith.constant 0 : i32
      %dma_wait3A_710 = tpu.memref_slice %arg4[%mul3A_2, %dma_wait3A_709] : memref<204800x128xf32, #tpu.memory_space<hbm>> -> memref<128x128xf32, #tpu.memory_space<hbm>>
      %dma_wait3A_711 = arith.constant 0 : i32
      %dma_wait3A_712 = tpu.memref_slice %arg4[%mul3A_2, %dma_wait3A_711] : memref<204800x128xf32, #tpu.memory_space<hbm>> -> memref<128x128xf32, #tpu.memory_space<hbm>>
      %dma_wait3A_713 = arith.constant 0 : i32
      %dma_wait3A_714 = arith.constant 0 : i32
      %dma_wait3A_715 = tpu.memref_slice %arg6[%dma_wait3A_704, %dma_wait3A_713, %dma_wait3A_714] : memref<5x128x128xf32, #tpu.memory_space<vmem>> -> memref<1x128x128xf32, #tpu.memory_space<vmem>>
      %dma_wait3A_716 = tpu.memref_squeeze %dma_wait3A_715 : memref<1x128x128xf32, #tpu.memory_space<vmem>> -> memref<128x128xf32, #tpu.memory_space<vmem>>
      tpu.wait_dma2 semaphore(%arg13 : memref<!tpu.dma_semaphore, #tpu.memory_space<semaphore_mem>>) src(%dma_wait3A_716 : memref<128x128xf32, #tpu.memory_space<vmem>>) dst(%dma_wait3A_712 : memref<128x128xf32, #tpu.memory_space<hbm>>)
      %add3A_717 = arith.constant 3 : i32
      %add3A_718 = arith.addi %add3A_703, %add3A_717 : i32
      %dma_start3A_719 = arith.constant 1 : i32
      %dma_start3A_720 = arith.constant 0 : i32
      %dma_start3A_721 = arith.constant 0 : i32
      %dma_start3A_722 = tpu.memref_slice %arg6[%dma_start3A_719, %dma_start3A_720, %dma_start3A_721] : memref<5x128x128xf32, #tpu.memory_space<vmem>> -> memref<1x128x128xf32, #tpu.memory_space<vmem>>
      %dma_start3A_723 = tpu.memref_squeeze %dma_start3A_722 : memref<1x128x128xf32, #tpu.memory_space<vmem>> -> memref<128x128xf32, #tpu.memory_space<vmem>>
      %dma_start3A_724 = arith.constant 0 : i32
      %dma_start3A_725 = tpu.memref_slice %arg5[%add3A_718, %dma_start3A_724] : memref<50x128xi32, #tpu.memory_space<vmem>> -> memref<1x128xi32, #tpu.memory_space<vmem>>
      %dma_start3A_726 = tpu.memref_squeeze %dma_start3A_725 : memref<1x128xi32, #tpu.memory_space<vmem>> -> memref<128xi32, #tpu.memory_space<vmem>>
      %dma_start3A_727 = arith.constant 0 : i32
      %dma_start3A_728 = arith.constant 0 : i32
      %dma_start3A_729 = tpu.memref_slice %arg2[%dma_start3A_727, %dma_start3A_728] : memref<100000x128xf32, #tpu.memory_space<hbm>> -> memref<100000x128xf32, #tpu.memory_space<hbm>>
      tpu.enqueue_indirect_dma source(%dma_start3A_729 : memref<100000x128xf32, #tpu.memory_space<hbm>>) target(%dma_start3A_723 : memref<128x128xf32, #tpu.memory_space<vmem>>) offsets(%dma_start3A_726 : memref<128xi32, #tpu.memory_space<vmem>>) semaphore(%arg8 : memref<!tpu.dma_semaphore, #tpu.memory_space<semaphore_mem>>)
      %dma_wait3A_730 = arith.constant 0 : i32
      %dma_wait3A_731 = arith.constant 3 : i32
      %dma_wait3A_732 = arith.constant 0 : i32
      %dma_wait3A_733 = arith.constant 0 : i32
      %dma_wait3A_734 = tpu.memref_slice %arg6[%dma_wait3A_731, %dma_wait3A_732, %dma_wait3A_733] : memref<5x128x128xf32, #tpu.memory_space<vmem>> -> memref<1x128x128xf32, #tpu.memory_space<vmem>>
      %dma_wait3A_735 = tpu.memref_squeeze %dma_wait3A_734 : memref<1x128x128xf32, #tpu.memory_space<vmem>> -> memref<128x128xf32, #tpu.memory_space<vmem>>
      %dma_wait3A_736 = arith.constant 0 : i32
      %dma_wait3A_737 = tpu.memref_slice %arg5[%dma_wait3A_730, %dma_wait3A_736] : memref<50x128xi32, #tpu.memory_space<vmem>> -> memref<1x128xi32, #tpu.memory_space<vmem>>
      %dma_wait3A_738 = tpu.memref_squeeze %dma_wait3A_737 : memref<1x128xi32, #tpu.memory_space<vmem>> -> memref<128xi32, #tpu.memory_space<vmem>>
      %dma_wait3A_739 = arith.constant 0 : i32
      %dma_wait3A_740 = arith.constant 0 : i32
      %dma_wait3A_741 = tpu.memref_slice %arg2[%dma_wait3A_739, %dma_wait3A_740] : memref<100000x128xf32, #tpu.memory_space<hbm>> -> memref<100000x128xf32, #tpu.memory_space<hbm>>
      tpu.wait_indirect_dma semaphore(%arg10 : memref<!tpu.dma_semaphore, #tpu.memory_space<semaphore_mem>>) src(%dma_wait3A_741 : memref<100000x128xf32, #tpu.memory_space<hbm>>) dst(%dma_wait3A_735 : memref<128x128xf32, #tpu.memory_space<vmem>>)
      %mul3A_742 = arith.constant 128 : i32
      %mul3A_743 = arith.muli %add3A_703, %mul3A_742 : i32
      %add3A_744 = arith.addi %mul3A_2, %mul3A_743 : i32
      %dma_start3A_745 = arith.constant 3 : i32
      %dma_start3A_746 = arith.constant 0 : i32
      %dma_start3A_747 = arith.constant 0 : i32
      %dma_start3A_748 = tpu.memref_slice %arg6[%dma_start3A_745, %dma_start3A_746, %dma_start3A_747] : memref<5x128x128xf32, #tpu.memory_space<vmem>> -> memref<1x128x128xf32, #tpu.memory_space<vmem>>
      %dma_start3A_749 = tpu.memref_squeeze %dma_start3A_748 : memref<1x128x128xf32, #tpu.memory_space<vmem>> -> memref<128x128xf32, #tpu.memory_space<vmem>>
      %dma_start3A_750 = arith.constant 0 : i32
      %dma_start3A_751 = tpu.memref_slice %arg4[%add3A_744, %dma_start3A_750] : memref<204800x128xf32, #tpu.memory_space<hbm>> -> memref<128x128xf32, #tpu.memory_space<hbm>>
      %dma_start3A_752 = arith.constant 0 : i32
      %dma_start3A_753 = tpu.memref_slice %arg4[%add3A_744, %dma_start3A_752] : memref<204800x128xf32, #tpu.memory_space<hbm>> -> memref<128x128xf32, #tpu.memory_space<hbm>>
      %dma_start3A_754 = arith.constant 0 : i32
      %dma_start3A_755 = arith.constant 0 : i32
      %dma_start3A_756 = tpu.memref_slice %arg6[%dma_start3A_745, %dma_start3A_754, %dma_start3A_755] : memref<5x128x128xf32, #tpu.memory_space<vmem>> -> memref<1x128x128xf32, #tpu.memory_space<vmem>>
      %dma_start3A_757 = tpu.memref_squeeze %dma_start3A_756 : memref<1x128x128xf32, #tpu.memory_space<vmem>> -> memref<128x128xf32, #tpu.memory_space<vmem>>
      tpu.enqueue_dma source(%dma_start3A_757 : memref<128x128xf32, #tpu.memory_space<vmem>>) target(%dma_start3A_753 : memref<128x128xf32, #tpu.memory_space<hbm>>) target_semaphore(%arg15 : memref<!tpu.dma_semaphore, #tpu.memory_space<semaphore_mem>>)
      %mul3A_758 = arith.constant 5 : i32
      %mul3A_759 = arith.muli %scan3A_525, %mul3A_758 : i32
      %add3A_760 = arith.constant 4 : i32
      %add3A_761 = arith.addi %mul3A_759, %add3A_760 : i32
      %dma_wait3A_762 = arith.constant 2 : i32
      %dma_wait3A_763 = arith.constant 0 : i32
      %dma_wait3A_764 = arith.constant 0 : i32
      %dma_wait3A_765 = tpu.memref_slice %arg6[%dma_wait3A_762, %dma_wait3A_763, %dma_wait3A_764] : memref<5x128x128xf32, #tpu.memory_space<vmem>> -> memref<1x128x128xf32, #tpu.memory_space<vmem>>
      %dma_wait3A_766 = tpu.memref_squeeze %dma_wait3A_765 : memref<1x128x128xf32, #tpu.memory_space<vmem>> -> memref<128x128xf32, #tpu.memory_space<vmem>>
      %dma_wait3A_767 = arith.constant 0 : i32
      %dma_wait3A_768 = tpu.memref_slice %arg4[%mul3A_2, %dma_wait3A_767] : memref<204800x128xf32, #tpu.memory_space<hbm>> -> memref<128x128xf32, #tpu.memory_space<hbm>>
      %dma_wait3A_769 = arith.constant 0 : i32
      %dma_wait3A_770 = tpu.memref_slice %arg4[%mul3A_2, %dma_wait3A_769] : memref<204800x128xf32, #tpu.memory_space<hbm>> -> memref<128x128xf32, #tpu.memory_space<hbm>>
      %dma_wait3A_771 = arith.constant 0 : i32
      %dma_wait3A_772 = arith.constant 0 : i32
      %dma_wait3A_773 = tpu.memref_slice %arg6[%dma_wait3A_762, %dma_wait3A_771, %dma_wait3A_772] : memref<5x128x128xf32, #tpu.memory_space<vmem>> -> memref<1x128x128xf32, #tpu.memory_space<vmem>>
      %dma_wait3A_774 = tpu.memref_squeeze %dma_wait3A_773 : memref<1x128x128xf32, #tpu.memory_space<vmem>> -> memref<128x128xf32, #tpu.memory_space<vmem>>
      tpu.wait_dma2 semaphore(%arg14 : memref<!tpu.dma_semaphore, #tpu.memory_space<semaphore_mem>>) src(%dma_wait3A_774 : memref<128x128xf32, #tpu.memory_space<vmem>>) dst(%dma_wait3A_770 : memref<128x128xf32, #tpu.memory_space<hbm>>)
      %add3A_775 = arith.constant 3 : i32
      %add3A_776 = arith.addi %add3A_761, %add3A_775 : i32
      %dma_start3A_777 = arith.constant 2 : i32
      %dma_start3A_778 = arith.constant 0 : i32
      %dma_start3A_779 = arith.constant 0 : i32
      %dma_start3A_780 = tpu.memref_slice %arg6[%dma_start3A_777, %dma_start3A_778, %dma_start3A_779] : memref<5x128x128xf32, #tpu.memory_space<vmem>> -> memref<1x128x128xf32, #tpu.memory_space<vmem>>
      %dma_start3A_781 = tpu.memref_squeeze %dma_start3A_780 : memref<1x128x128xf32, #tpu.memory_space<vmem>> -> memref<128x128xf32, #tpu.memory_space<vmem>>
      %dma_start3A_782 = arith.constant 0 : i32
      %dma_start3A_783 = tpu.memref_slice %arg5[%add3A_776, %dma_start3A_782] : memref<50x128xi32, #tpu.memory_space<vmem>> -> memref<1x128xi32, #tpu.memory_space<vmem>>
      %dma_start3A_784 = tpu.memref_squeeze %dma_start3A_783 : memref<1x128xi32, #tpu.memory_space<vmem>> -> memref<128xi32, #tpu.memory_space<vmem>>
      %dma_start3A_785 = arith.constant 0 : i32
      %dma_start3A_786 = arith.constant 0 : i32
      %dma_start3A_787 = tpu.memref_slice %arg2[%dma_start3A_785, %dma_start3A_786] : memref<100000x128xf32, #tpu.memory_space<hbm>> -> memref<100000x128xf32, #tpu.memory_space<hbm>>
      tpu.enqueue_indirect_dma source(%dma_start3A_787 : memref<100000x128xf32, #tpu.memory_space<hbm>>) target(%dma_start3A_781 : memref<128x128xf32, #tpu.memory_space<vmem>>) offsets(%dma_start3A_784 : memref<128xi32, #tpu.memory_space<vmem>>) semaphore(%arg9 : memref<!tpu.dma_semaphore, #tpu.memory_space<semaphore_mem>>)
      %dma_wait3A_788 = arith.constant 0 : i32
      %dma_wait3A_789 = arith.constant 4 : i32
      %dma_wait3A_790 = arith.constant 0 : i32
      %dma_wait3A_791 = arith.constant 0 : i32
      %dma_wait3A_792 = tpu.memref_slice %arg6[%dma_wait3A_789, %dma_wait3A_790, %dma_wait3A_791] : memref<5x128x128xf32, #tpu.memory_space<vmem>> -> memref<1x128x128xf32, #tpu.memory_space<vmem>>
      %dma_wait3A_793 = tpu.memref_squeeze %dma_wait3A_792 : memref<1x128x128xf32, #tpu.memory_space<vmem>> -> memref<128x128xf32, #tpu.memory_space<vmem>>
      %dma_wait3A_794 = arith.constant 0 : i32
      %dma_wait3A_795 = tpu.memref_slice %arg5[%dma_wait3A_788, %dma_wait3A_794] : memref<50x128xi32, #tpu.memory_space<vmem>> -> memref<1x128xi32, #tpu.memory_space<vmem>>
      %dma_wait3A_796 = tpu.memref_squeeze %dma_wait3A_795 : memref<1x128xi32, #tpu.memory_space<vmem>> -> memref<128xi32, #tpu.memory_space<vmem>>
      %dma_wait3A_797 = arith.constant 0 : i32
      %dma_wait3A_798 = arith.constant 0 : i32
      %dma_wait3A_799 = tpu.memref_slice %arg2[%dma_wait3A_797, %dma_wait3A_798] : memref<100000x128xf32, #tpu.memory_space<hbm>> -> memref<100000x128xf32, #tpu.memory_space<hbm>>
      tpu.wait_indirect_dma semaphore(%arg11 : memref<!tpu.dma_semaphore, #tpu.memory_space<semaphore_mem>>) src(%dma_wait3A_799 : memref<100000x128xf32, #tpu.memory_space<hbm>>) dst(%dma_wait3A_793 : memref<128x128xf32, #tpu.memory_space<vmem>>)
      %mul3A_800 = arith.constant 128 : i32
      %mul3A_801 = arith.muli %add3A_761, %mul3A_800 : i32
      %add3A_802 = arith.addi %mul3A_2, %mul3A_801 : i32
      %dma_start3A_803 = arith.constant 4 : i32
      %dma_start3A_804 = arith.constant 0 : i32
      %dma_start3A_805 = arith.constant 0 : i32
      %dma_start3A_806 = tpu.memref_slice %arg6[%dma_start3A_803, %dma_start3A_804, %dma_start3A_805] : memref<5x128x128xf32, #tpu.memory_space<vmem>> -> memref<1x128x128xf32, #tpu.memory_space<vmem>>
      %dma_start3A_807 = tpu.memref_squeeze %dma_start3A_806 : memref<1x128x128xf32, #tpu.memory_space<vmem>> -> memref<128x128xf32, #tpu.memory_space<vmem>>
      %dma_start3A_808 = arith.constant 0 : i32
      %dma_start3A_809 = tpu.memref_slice %arg4[%add3A_802, %dma_start3A_808] : memref<204800x128xf32, #tpu.memory_space<hbm>> -> memref<128x128xf32, #tpu.memory_space<hbm>>
      %dma_start3A_810 = arith.constant 0 : i32
      %dma_start3A_811 = tpu.memref_slice %arg4[%add3A_802, %dma_start3A_810] : memref<204800x128xf32, #tpu.memory_space<hbm>> -> memref<128x128xf32, #tpu.memory_space<hbm>>
      %dma_start3A_812 = arith.constant 0 : i32
      %dma_start3A_813 = arith.constant 0 : i32
      %dma_start3A_814 = tpu.memref_slice %arg6[%dma_start3A_803, %dma_start3A_812, %dma_start3A_813] : memref<5x128x128xf32, #tpu.memory_space<vmem>> -> memref<1x128x128xf32, #tpu.memory_space<vmem>>
      %dma_start3A_815 = tpu.memref_squeeze %dma_start3A_814 : memref<1x128x128xf32, #tpu.memory_space<vmem>> -> memref<128x128xf32, #tpu.memory_space<vmem>>
      tpu.enqueue_dma source(%dma_start3A_815 : memref<128x128xf32, #tpu.memory_space<vmem>>) target(%dma_start3A_811 : memref<128x128xf32, #tpu.memory_space<hbm>>) target_semaphore(%arg16 : memref<!tpu.dma_semaphore, #tpu.memory_space<semaphore_mem>>)
    }
    %scan3A_274 = arith.constant 8 : i32
    %dma_wait3A_275 = arith.constant 3 : i32
    %dma_wait3A_276 = arith.constant 0 : i32
    %dma_wait3A_277 = arith.constant 0 : i32
    %dma_wait3A_278 = tpu.memref_slice %arg6[%dma_wait3A_275, %dma_wait3A_276, %dma_wait3A_277] : memref<5x128x128xf32, #tpu.memory_space<vmem>> -> memref<1x128x128xf32, #tpu.memory_space<vmem>>
    %dma_wait3A_279 = tpu.memref_squeeze %dma_wait3A_278 : memref<1x128x128xf32, #tpu.memory_space<vmem>> -> memref<128x128xf32, #tpu.memory_space<vmem>>
    %dma_wait3A_280 = arith.constant 0 : i32
    %dma_wait3A_281 = tpu.memref_slice %arg4[%mul3A_2, %dma_wait3A_280] : memref<204800x128xf32, #tpu.memory_space<hbm>> -> memref<128x128xf32, #tpu.memory_space<hbm>>
    %dma_wait3A_282 = arith.constant 0 : i32
    %dma_wait3A_283 = tpu.memref_slice %arg4[%mul3A_2, %dma_wait3A_282] : memref<204800x128xf32, #tpu.memory_space<hbm>> -> memref<128x128xf32, #tpu.memory_space<hbm>>
    %dma_wait3A_284 = arith.constant 0 : i32
    %dma_wait3A_285 = arith.constant 0 : i32
    %dma_wait3A_286 = tpu.memref_slice %arg6[%dma_wait3A_275, %dma_wait3A_284, %dma_wait3A_285] : memref<5x128x128xf32, #tpu.memory_space<vmem>> -> memref<1x128x128xf32, #tpu.memory_space<vmem>>
    %dma_wait3A_287 = tpu.memref_squeeze %dma_wait3A_286 : memref<1x128x128xf32, #tpu.memory_space<vmem>> -> memref<128x128xf32, #tpu.memory_space<vmem>>
    tpu.wait_dma2 semaphore(%arg15 : memref<!tpu.dma_semaphore, #tpu.memory_space<semaphore_mem>>) src(%dma_wait3A_287 : memref<128x128xf32, #tpu.memory_space<vmem>>) dst(%dma_wait3A_283 : memref<128x128xf32, #tpu.memory_space<hbm>>)
    %dma_start3A_288 = arith.constant 48 : i32
    %dma_start3A_289 = arith.constant 3 : i32
    %dma_start3A_290 = arith.constant 0 : i32
    %dma_start3A_291 = arith.constant 0 : i32
    %dma_start3A_292 = tpu.memref_slice %arg6[%dma_start3A_289, %dma_start3A_290, %dma_start3A_291] : memref<5x128x128xf32, #tpu.memory_space<vmem>> -> memref<1x128x128xf32, #tpu.memory_space<vmem>>
    %dma_start3A_293 = tpu.memref_squeeze %dma_start3A_292 : memref<1x128x128xf32, #tpu.memory_space<vmem>> -> memref<128x128xf32, #tpu.memory_space<vmem>>
    %dma_start3A_294 = arith.constant 0 : i32
    %dma_start3A_295 = tpu.memref_slice %arg5[%dma_start3A_288, %dma_start3A_294] : memref<50x128xi32, #tpu.memory_space<vmem>> -> memref<1x128xi32, #tpu.memory_space<vmem>>
    %dma_start3A_296 = tpu.memref_squeeze %dma_start3A_295 : memref<1x128xi32, #tpu.memory_space<vmem>> -> memref<128xi32, #tpu.memory_space<vmem>>
    %dma_start3A_297 = arith.constant 0 : i32
    %dma_start3A_298 = arith.constant 0 : i32
    %dma_start3A_299 = tpu.memref_slice %arg2[%dma_start3A_297, %dma_start3A_298] : memref<100000x128xf32, #tpu.memory_space<hbm>> -> memref<100000x128xf32, #tpu.memory_space<hbm>>
    tpu.enqueue_indirect_dma source(%dma_start3A_299 : memref<100000x128xf32, #tpu.memory_space<hbm>>) target(%dma_start3A_293 : memref<128x128xf32, #tpu.memory_space<vmem>>) offsets(%dma_start3A_296 : memref<128xi32, #tpu.memory_space<vmem>>) semaphore(%arg10 : memref<!tpu.dma_semaphore, #tpu.memory_space<semaphore_mem>>)
    %dma_wait3A_300 = arith.constant 0 : i32
    %dma_wait3A_301 = arith.constant 0 : i32
    %dma_wait3A_302 = arith.constant 0 : i32
    %dma_wait3A_303 = arith.constant 0 : i32
    %dma_wait3A_304 = tpu.memref_slice %arg6[%dma_wait3A_301, %dma_wait3A_302, %dma_wait3A_303] : memref<5x128x128xf32, #tpu.memory_space<vmem>> -> memref<1x128x128xf32, #tpu.memory_space<vmem>>
    %dma_wait3A_305 = tpu.memref_squeeze %dma_wait3A_304 : memref<1x128x128xf32, #tpu.memory_space<vmem>> -> memref<128x128xf32, #tpu.memory_space<vmem>>
    %dma_wait3A_306 = arith.constant 0 : i32
    %dma_wait3A_307 = tpu.memref_slice %arg5[%dma_wait3A_300, %dma_wait3A_306] : memref<50x128xi32, #tpu.memory_space<vmem>> -> memref<1x128xi32, #tpu.memory_space<vmem>>
    %dma_wait3A_308 = tpu.memref_squeeze %dma_wait3A_307 : memref<1x128xi32, #tpu.memory_space<vmem>> -> memref<128xi32, #tpu.memory_space<vmem>>
    %dma_wait3A_309 = arith.constant 0 : i32
    %dma_wait3A_310 = arith.constant 0 : i32
    %dma_wait3A_311 = tpu.memref_slice %arg2[%dma_wait3A_309, %dma_wait3A_310] : memref<100000x128xf32, #tpu.memory_space<hbm>> -> memref<100000x128xf32, #tpu.memory_space<hbm>>
    tpu.wait_indirect_dma semaphore(%arg7 : memref<!tpu.dma_semaphore, #tpu.memory_space<semaphore_mem>>) src(%dma_wait3A_311 : memref<100000x128xf32, #tpu.memory_space<hbm>>) dst(%dma_wait3A_305 : memref<128x128xf32, #tpu.memory_space<vmem>>)
    %add3A_312 = arith.constant 5760 : i32
    %add3A_313 = arith.addi %mul3A_2, %add3A_312 : i32
    %dma_start3A_314 = arith.constant 0 : i32
    %dma_start3A_315 = arith.constant 0 : i32
    %dma_start3A_316 = arith.constant 0 : i32
    %dma_start3A_317 = tpu.memref_slice %arg6[%dma_start3A_314, %dma_start3A_315, %dma_start3A_316] : memref<5x128x128xf32, #tpu.memory_space<vmem>> -> memref<1x128x128xf32, #tpu.memory_space<vmem>>
    %dma_start3A_318 = tpu.memref_squeeze %dma_start3A_317 : memref<1x128x128xf32, #tpu.memory_space<vmem>> -> memref<128x128xf32, #tpu.memory_space<vmem>>
    %dma_start3A_319 = arith.constant 0 : i32
    %dma_start3A_320 = tpu.memref_slice %arg4[%add3A_313, %dma_start3A_319] : memref<204800x128xf32, #tpu.memory_space<hbm>> -> memref<128x128xf32, #tpu.memory_space<hbm>>
    %dma_start3A_321 = arith.constant 0 : i32
    %dma_start3A_322 = tpu.memref_slice %arg4[%add3A_313, %dma_start3A_321] : memref<204800x128xf32, #tpu.memory_space<hbm>> -> memref<128x128xf32, #tpu.memory_space<hbm>>
    %dma_start3A_323 = arith.constant 0 : i32
    %dma_start3A_324 = arith.constant 0 : i32
    %dma_start3A_325 = tpu.memref_slice %arg6[%dma_start3A_314, %dma_start3A_323, %dma_start3A_324] : memref<5x128x128xf32, #tpu.memory_space<vmem>> -> memref<1x128x128xf32, #tpu.memory_space<vmem>>
    %dma_start3A_326 = tpu.memref_squeeze %dma_start3A_325 : memref<1x128x128xf32, #tpu.memory_space<vmem>> -> memref<128x128xf32, #tpu.memory_space<vmem>>
    tpu.enqueue_dma source(%dma_start3A_326 : memref<128x128xf32, #tpu.memory_space<vmem>>) target(%dma_start3A_322 : memref<128x128xf32, #tpu.memory_space<hbm>>) target_semaphore(%arg12 : memref<!tpu.dma_semaphore, #tpu.memory_space<semaphore_mem>>)
    %dma_wait3A_327 = arith.constant 4 : i32
    %dma_wait3A_328 = arith.constant 0 : i32
    %dma_wait3A_329 = arith.constant 0 : i32
    %dma_wait3A_330 = tpu.memref_slice %arg6[%dma_wait3A_327, %dma_wait3A_328, %dma_wait3A_329] : memref<5x128x128xf32, #tpu.memory_space<vmem>> -> memref<1x128x128xf32, #tpu.memory_space<vmem>>
    %dma_wait3A_331 = tpu.memref_squeeze %dma_wait3A_330 : memref<1x128x128xf32, #tpu.memory_space<vmem>> -> memref<128x128xf32, #tpu.memory_space<vmem>>
    %dma_wait3A_332 = arith.constant 0 : i32
    %dma_wait3A_333 = tpu.memref_slice %arg4[%mul3A_2, %dma_wait3A_332] : memref<204800x128xf32, #tpu.memory_space<hbm>> -> memref<128x128xf32, #tpu.memory_space<hbm>>
    %dma_wait3A_334 = arith.constant 0 : i32
    %dma_wait3A_335 = tpu.memref_slice %arg4[%mul3A_2, %dma_wait3A_334] : memref<204800x128xf32, #tpu.memory_space<hbm>> -> memref<128x128xf32, #tpu.memory_space<hbm>>
    %dma_wait3A_336 = arith.constant 0 : i32
    %dma_wait3A_337 = arith.constant 0 : i32
    %dma_wait3A_338 = tpu.memref_slice %arg6[%dma_wait3A_327, %dma_wait3A_336, %dma_wait3A_337] : memref<5x128x128xf32, #tpu.memory_space<vmem>> -> memref<1x128x128xf32, #tpu.memory_space<vmem>>
    %dma_wait3A_339 = tpu.memref_squeeze %dma_wait3A_338 : memref<1x128x128xf32, #tpu.memory_space<vmem>> -> memref<128x128xf32, #tpu.memory_space<vmem>>
    tpu.wait_dma2 semaphore(%arg16 : memref<!tpu.dma_semaphore, #tpu.memory_space<semaphore_mem>>) src(%dma_wait3A_339 : memref<128x128xf32, #tpu.memory_space<vmem>>) dst(%dma_wait3A_335 : memref<128x128xf32, #tpu.memory_space<hbm>>)
    %dma_start3A_340 = arith.constant 49 : i32
    %dma_start3A_341 = arith.constant 4 : i32
    %dma_start3A_342 = arith.constant 0 : i32
    %dma_start3A_343 = arith.constant 0 : i32
    %dma_start3A_344 = tpu.memref_slice %arg6[%dma_start3A_341, %dma_start3A_342, %dma_start3A_343] : memref<5x128x128xf32, #tpu.memory_space<vmem>> -> memref<1x128x128xf32, #tpu.memory_space<vmem>>
    %dma_start3A_345 = tpu.memref_squeeze %dma_start3A_344 : memref<1x128x128xf32, #tpu.memory_space<vmem>> -> memref<128x128xf32, #tpu.memory_space<vmem>>
    %dma_start3A_346 = arith.constant 0 : i32
    %dma_start3A_347 = tpu.memref_slice %arg5[%dma_start3A_340, %dma_start3A_346] : memref<50x128xi32, #tpu.memory_space<vmem>> -> memref<1x128xi32, #tpu.memory_space<vmem>>
    %dma_start3A_348 = tpu.memref_squeeze %dma_start3A_347 : memref<1x128xi32, #tpu.memory_space<vmem>> -> memref<128xi32, #tpu.memory_space<vmem>>
    %dma_start3A_349 = arith.constant 0 : i32
    %dma_start3A_350 = arith.constant 0 : i32
    %dma_start3A_351 = tpu.memref_slice %arg2[%dma_start3A_349, %dma_start3A_350] : memref<100000x128xf32, #tpu.memory_space<hbm>> -> memref<100000x128xf32, #tpu.memory_space<hbm>>
    tpu.enqueue_indirect_dma source(%dma_start3A_351 : memref<100000x128xf32, #tpu.memory_space<hbm>>) target(%dma_start3A_345 : memref<128x128xf32, #tpu.memory_space<vmem>>) offsets(%dma_start3A_348 : memref<128xi32, #tpu.memory_space<vmem>>) semaphore(%arg11 : memref<!tpu.dma_semaphore, #tpu.memory_space<semaphore_mem>>)
    %dma_wait3A_352 = arith.constant 0 : i32
    %dma_wait3A_353 = arith.constant 1 : i32
    %dma_wait3A_354 = arith.constant 0 : i32
    %dma_wait3A_355 = arith.constant 0 : i32
    %dma_wait3A_356 = tpu.memref_slice %arg6[%dma_wait3A_353, %dma_wait3A_354, %dma_wait3A_355] : memref<5x128x128xf32, #tpu.memory_space<vmem>> -> memref<1x128x128xf32, #tpu.memory_space<vmem>>
    %dma_wait3A_357 = tpu.memref_squeeze %dma_wait3A_356 : memref<1x128x128xf32, #tpu.memory_space<vmem>> -> memref<128x128xf32, #tpu.memory_space<vmem>>
    %dma_wait3A_358 = arith.constant 0 : i32
    %dma_wait3A_359 = tpu.memref_slice %arg5[%dma_wait3A_352, %dma_wait3A_358] : memref<50x128xi32, #tpu.memory_space<vmem>> -> memref<1x128xi32, #tpu.memory_space<vmem>>
    %dma_wait3A_360 = tpu.memref_squeeze %dma_wait3A_359 : memref<1x128xi32, #tpu.memory_space<vmem>> -> memref<128xi32, #tpu.memory_space<vmem>>
    %dma_wait3A_361 = arith.constant 0 : i32
    %dma_wait3A_362 = arith.constant 0 : i32
    %dma_wait3A_363 = tpu.memref_slice %arg2[%dma_wait3A_361, %dma_wait3A_362] : memref<100000x128xf32, #tpu.memory_space<hbm>> -> memref<100000x128xf32, #tpu.memory_space<hbm>>
    tpu.wait_indirect_dma semaphore(%arg8 : memref<!tpu.dma_semaphore, #tpu.memory_space<semaphore_mem>>) src(%dma_wait3A_363 : memref<100000x128xf32, #tpu.memory_space<hbm>>) dst(%dma_wait3A_357 : memref<128x128xf32, #tpu.memory_space<vmem>>)
    %add3A_364 = arith.constant 5888 : i32
    %add3A_365 = arith.addi %mul3A_2, %add3A_364 : i32
    %dma_start3A_366 = arith.constant 1 : i32
    %dma_start3A_367 = arith.constant 0 : i32
    %dma_start3A_368 = arith.constant 0 : i32
    %dma_start3A_369 = tpu.memref_slice %arg6[%dma_start3A_366, %dma_start3A_367, %dma_start3A_368] : memref<5x128x128xf32, #tpu.memory_space<vmem>> -> memref<1x128x128xf32, #tpu.memory_space<vmem>>
    %dma_start3A_370 = tpu.memref_squeeze %dma_start3A_369 : memref<1x128x128xf32, #tpu.memory_space<vmem>> -> memref<128x128xf32, #tpu.memory_space<vmem>>
    %dma_start3A_371 = arith.constant 0 : i32
    %dma_start3A_372 = tpu.memref_slice %arg4[%add3A_365, %dma_start3A_371] : memref<204800x128xf32, #tpu.memory_space<hbm>> -> memref<128x128xf32, #tpu.memory_space<hbm>>
    %dma_start3A_373 = arith.constant 0 : i32
    %dma_start3A_374 = tpu.memref_slice %arg4[%add3A_365, %dma_start3A_373] : memref<204800x128xf32, #tpu.memory_space<hbm>> -> memref<128x128xf32, #tpu.memory_space<hbm>>
    %dma_start3A_375 = arith.constant 0 : i32
    %dma_start3A_376 = arith.constant 0 : i32
    %dma_start3A_377 = tpu.memref_slice %arg6[%dma_start3A_366, %dma_start3A_375, %dma_start3A_376] : memref<5x128x128xf32, #tpu.memory_space<vmem>> -> memref<1x128x128xf32, #tpu.memory_space<vmem>>
    %dma_start3A_378 = tpu.memref_squeeze %dma_start3A_377 : memref<1x128x128xf32, #tpu.memory_space<vmem>> -> memref<128x128xf32, #tpu.memory_space<vmem>>
    tpu.enqueue_dma source(%dma_start3A_378 : memref<128x128xf32, #tpu.memory_space<vmem>>) target(%dma_start3A_374 : memref<128x128xf32, #tpu.memory_space<hbm>>) target_semaphore(%arg13 : memref<!tpu.dma_semaphore, #tpu.memory_space<semaphore_mem>>)
    %dma_wait3A_379 = arith.constant 0 : i32
    %dma_wait3A_380 = arith.constant 2 : i32
    %dma_wait3A_381 = arith.constant 0 : i32
    %dma_wait3A_382 = arith.constant 0 : i32
    %dma_wait3A_383 = tpu.memref_slice %arg6[%dma_wait3A_380, %dma_wait3A_381, %dma_wait3A_382] : memref<5x128x128xf32, #tpu.memory_space<vmem>> -> memref<1x128x128xf32, #tpu.memory_space<vmem>>
    %dma_wait3A_384 = tpu.memref_squeeze %dma_wait3A_383 : memref<1x128x128xf32, #tpu.memory_space<vmem>> -> memref<128x128xf32, #tpu.memory_space<vmem>>
    %dma_wait3A_385 = arith.constant 0 : i32
    %dma_wait3A_386 = tpu.memref_slice %arg5[%dma_wait3A_379, %dma_wait3A_385] : memref<50x128xi32, #tpu.memory_space<vmem>> -> memref<1x128xi32, #tpu.memory_space<vmem>>
    %dma_wait3A_387 = tpu.memref_squeeze %dma_wait3A_386 : memref<1x128xi32, #tpu.memory_space<vmem>> -> memref<128xi32, #tpu.memory_space<vmem>>
    %dma_wait3A_388 = arith.constant 0 : i32
    %dma_wait3A_389 = arith.constant 0 : i32
    %dma_wait3A_390 = tpu.memref_slice %arg2[%dma_wait3A_388, %dma_wait3A_389] : memref<100000x128xf32, #tpu.memory_space<hbm>> -> memref<100000x128xf32, #tpu.memory_space<hbm>>
    tpu.wait_indirect_dma semaphore(%arg9 : memref<!tpu.dma_semaphore, #tpu.memory_space<semaphore_mem>>) src(%dma_wait3A_390 : memref<100000x128xf32, #tpu.memory_space<hbm>>) dst(%dma_wait3A_384 : memref<128x128xf32, #tpu.memory_space<vmem>>)
    %add3A_391 = arith.constant 6016 : i32
    %add3A_392 = arith.addi %mul3A_2, %add3A_391 : i32
    %dma_start3A_393 = arith.constant 2 : i32
    %dma_start3A_394 = arith.constant 0 : i32
    %dma_start3A_395 = arith.constant 0 : i32
    %dma_start3A_396 = tpu.memref_slice %arg6[%dma_start3A_393, %dma_start3A_394, %dma_start3A_395] : memref<5x128x128xf32, #tpu.memory_space<vmem>> -> memref<1x128x128xf32, #tpu.memory_space<vmem>>
    %dma_start3A_397 = tpu.memref_squeeze %dma_start3A_396 : memref<1x128x128xf32, #tpu.memory_space<vmem>> -> memref<128x128xf32, #tpu.memory_space<vmem>>
    %dma_start3A_398 = arith.constant 0 : i32
    %dma_start3A_399 = tpu.memref_slice %arg4[%add3A_392, %dma_start3A_398] : memref<204800x128xf32, #tpu.memory_space<hbm>> -> memref<128x128xf32, #tpu.memory_space<hbm>>
    %dma_start3A_400 = arith.constant 0 : i32
    %dma_start3A_401 = tpu.memref_slice %arg4[%add3A_392, %dma_start3A_400] : memref<204800x128xf32, #tpu.memory_space<hbm>> -> memref<128x128xf32, #tpu.memory_space<hbm>>
    %dma_start3A_402 = arith.constant 0 : i32
    %dma_start3A_403 = arith.constant 0 : i32
    %dma_start3A_404 = tpu.memref_slice %arg6[%dma_start3A_393, %dma_start3A_402, %dma_start3A_403] : memref<5x128x128xf32, #tpu.memory_space<vmem>> -> memref<1x128x128xf32, #tpu.memory_space<vmem>>
    %dma_start3A_405 = tpu.memref_squeeze %dma_start3A_404 : memref<1x128x128xf32, #tpu.memory_space<vmem>> -> memref<128x128xf32, #tpu.memory_space<vmem>>
    tpu.enqueue_dma source(%dma_start3A_405 : memref<128x128xf32, #tpu.memory_space<vmem>>) target(%dma_start3A_401 : memref<128x128xf32, #tpu.memory_space<hbm>>) target_semaphore(%arg14 : memref<!tpu.dma_semaphore, #tpu.memory_space<semaphore_mem>>)
    %dma_wait3A_406 = arith.constant 0 : i32
    %dma_wait3A_407 = arith.constant 3 : i32
    %dma_wait3A_408 = arith.constant 0 : i32
    %dma_wait3A_409 = arith.constant 0 : i32
    %dma_wait3A_410 = tpu.memref_slice %arg6[%dma_wait3A_407, %dma_wait3A_408, %dma_wait3A_409] : memref<5x128x128xf32, #tpu.memory_space<vmem>> -> memref<1x128x128xf32, #tpu.memory_space<vmem>>
    %dma_wait3A_411 = tpu.memref_squeeze %dma_wait3A_410 : memref<1x128x128xf32, #tpu.memory_space<vmem>> -> memref<128x128xf32, #tpu.memory_space<vmem>>
    %dma_wait3A_412 = arith.constant 0 : i32
    %dma_wait3A_413 = tpu.memref_slice %arg5[%dma_wait3A_406, %dma_wait3A_412] : memref<50x128xi32, #tpu.memory_space<vmem>> -> memref<1x128xi32, #tpu.memory_space<vmem>>
    %dma_wait3A_414 = tpu.memref_squeeze %dma_wait3A_413 : memref<1x128xi32, #tpu.memory_space<vmem>> -> memref<128xi32, #tpu.memory_space<vmem>>
    %dma_wait3A_415 = arith.constant 0 : i32
    %dma_wait3A_416 = arith.constant 0 : i32
    %dma_wait3A_417 = tpu.memref_slice %arg2[%dma_wait3A_415, %dma_wait3A_416] : memref<100000x128xf32, #tpu.memory_space<hbm>> -> memref<100000x128xf32, #tpu.memory_space<hbm>>
    tpu.wait_indirect_dma semaphore(%arg10 : memref<!tpu.dma_semaphore, #tpu.memory_space<semaphore_mem>>) src(%dma_wait3A_417 : memref<100000x128xf32, #tpu.memory_space<hbm>>) dst(%dma_wait3A_411 : memref<128x128xf32, #tpu.memory_space<vmem>>)
    %add3A_418 = arith.constant 6144 : i32
    %add3A_419 = arith.addi %mul3A_2, %add3A_418 : i32
    %dma_start3A_420 = arith.constant 3 : i32
    %dma_start3A_421 = arith.constant 0 : i32
    %dma_start3A_422 = arith.constant 0 : i32
    %dma_start3A_423 = tpu.memref_slice %arg6[%dma_start3A_420, %dma_start3A_421, %dma_start3A_422] : memref<5x128x128xf32, #tpu.memory_space<vmem>> -> memref<1x128x128xf32, #tpu.memory_space<vmem>>
    %dma_start3A_424 = tpu.memref_squeeze %dma_start3A_423 : memref<1x128x128xf32, #tpu.memory_space<vmem>> -> memref<128x128xf32, #tpu.memory_space<vmem>>
    %dma_start3A_425 = arith.constant 0 : i32
    %dma_start3A_426 = tpu.memref_slice %arg4[%add3A_419, %dma_start3A_425] : memref<204800x128xf32, #tpu.memory_space<hbm>> -> memref<128x128xf32, #tpu.memory_space<hbm>>
    %dma_start3A_427 = arith.constant 0 : i32
    %dma_start3A_428 = tpu.memref_slice %arg4[%add3A_419, %dma_start3A_427] : memref<204800x128xf32, #tpu.memory_space<hbm>> -> memref<128x128xf32, #tpu.memory_space<hbm>>
    %dma_start3A_429 = arith.constant 0 : i32
    %dma_start3A_430 = arith.constant 0 : i32
    %dma_start3A_431 = tpu.memref_slice %arg6[%dma_start3A_420, %dma_start3A_429, %dma_start3A_430] : memref<5x128x128xf32, #tpu.memory_space<vmem>> -> memref<1x128x128xf32, #tpu.memory_space<vmem>>
    %dma_start3A_432 = tpu.memref_squeeze %dma_start3A_431 : memref<1x128x128xf32, #tpu.memory_space<vmem>> -> memref<128x128xf32, #tpu.memory_space<vmem>>
    tpu.enqueue_dma source(%dma_start3A_432 : memref<128x128xf32, #tpu.memory_space<vmem>>) target(%dma_start3A_428 : memref<128x128xf32, #tpu.memory_space<hbm>>) target_semaphore(%arg15 : memref<!tpu.dma_semaphore, #tpu.memory_space<semaphore_mem>>)
    %dma_wait3A_433 = arith.constant 0 : i32
    %dma_wait3A_434 = arith.constant 4 : i32
    %dma_wait3A_435 = arith.constant 0 : i32
    %dma_wait3A_436 = arith.constant 0 : i32
    %dma_wait3A_437 = tpu.memref_slice %arg6[%dma_wait3A_434, %dma_wait3A_435, %dma_wait3A_436] : memref<5x128x128xf32, #tpu.memory_space<vmem>> -> memref<1x128x128xf32, #tpu.memory_space<vmem>>
    %dma_wait3A_438 = tpu.memref_squeeze %dma_wait3A_437 : memref<1x128x128xf32, #tpu.memory_space<vmem>> -> memref<128x128xf32, #tpu.memory_space<vmem>>
    %dma_wait3A_439 = arith.constant 0 : i32
    %dma_wait3A_440 = tpu.memref_slice %arg5[%dma_wait3A_433, %dma_wait3A_439] : memref<50x128xi32, #tpu.memory_space<vmem>> -> memref<1x128xi32, #tpu.memory_space<vmem>>
    %dma_wait3A_441 = tpu.memref_squeeze %dma_wait3A_440 : memref<1x128xi32, #tpu.memory_space<vmem>> -> memref<128xi32, #tpu.memory_space<vmem>>
    %dma_wait3A_442 = arith.constant 0 : i32
    %dma_wait3A_443 = arith.constant 0 : i32
    %dma_wait3A_444 = tpu.memref_slice %arg2[%dma_wait3A_442, %dma_wait3A_443] : memref<100000x128xf32, #tpu.memory_space<hbm>> -> memref<100000x128xf32, #tpu.memory_space<hbm>>
    tpu.wait_indirect_dma semaphore(%arg11 : memref<!tpu.dma_semaphore, #tpu.memory_space<semaphore_mem>>) src(%dma_wait3A_444 : memref<100000x128xf32, #tpu.memory_space<hbm>>) dst(%dma_wait3A_438 : memref<128x128xf32, #tpu.memory_space<vmem>>)
    %add3A_445 = arith.constant 6272 : i32
    %add3A_446 = arith.addi %mul3A_2, %add3A_445 : i32
    %dma_start3A_447 = arith.constant 4 : i32
    %dma_start3A_448 = arith.constant 0 : i32
    %dma_start3A_449 = arith.constant 0 : i32
    %dma_start3A_450 = tpu.memref_slice %arg6[%dma_start3A_447, %dma_start3A_448, %dma_start3A_449] : memref<5x128x128xf32, #tpu.memory_space<vmem>> -> memref<1x128x128xf32, #tpu.memory_space<vmem>>
    %dma_start3A_451 = tpu.memref_squeeze %dma_start3A_450 : memref<1x128x128xf32, #tpu.memory_space<vmem>> -> memref<128x128xf32, #tpu.memory_space<vmem>>
    %dma_start3A_452 = arith.constant 0 : i32
    %dma_start3A_453 = tpu.memref_slice %arg4[%add3A_446, %dma_start3A_452] : memref<204800x128xf32, #tpu.memory_space<hbm>> -> memref<128x128xf32, #tpu.memory_space<hbm>>
    %dma_start3A_454 = arith.constant 0 : i32
    %dma_start3A_455 = tpu.memref_slice %arg4[%add3A_446, %dma_start3A_454] : memref<204800x128xf32, #tpu.memory_space<hbm>> -> memref<128x128xf32, #tpu.memory_space<hbm>>
    %dma_start3A_456 = arith.constant 0 : i32
    %dma_start3A_457 = arith.constant 0 : i32
    %dma_start3A_458 = tpu.memref_slice %arg6[%dma_start3A_447, %dma_start3A_456, %dma_start3A_457] : memref<5x128x128xf32, #tpu.memory_space<vmem>> -> memref<1x128x128xf32, #tpu.memory_space<vmem>>
    %dma_start3A_459 = tpu.memref_squeeze %dma_start3A_458 : memref<1x128x128xf32, #tpu.memory_space<vmem>> -> memref<128x128xf32, #tpu.memory_space<vmem>>
    tpu.enqueue_dma source(%dma_start3A_459 : memref<128x128xf32, #tpu.memory_space<vmem>>) target(%dma_start3A_455 : memref<128x128xf32, #tpu.memory_space<hbm>>) target_semaphore(%arg16 : memref<!tpu.dma_semaphore, #tpu.memory_space<semaphore_mem>>)
    %dma_wait3A_460 = arith.constant 0 : i32
    %dma_wait3A_461 = arith.constant 0 : i32
    %dma_wait3A_462 = arith.constant 0 : i32
    %dma_wait3A_463 = tpu.memref_slice %arg6[%dma_wait3A_460, %dma_wait3A_461, %dma_wait3A_462] : memref<5x128x128xf32, #tpu.memory_space<vmem>> -> memref<1x128x128xf32, #tpu.memory_space<vmem>>
    %dma_wait3A_464 = tpu.memref_squeeze %dma_wait3A_463 : memref<1x128x128xf32, #tpu.memory_space<vmem>> -> memref<128x128xf32, #tpu.memory_space<vmem>>
    %dma_wait3A_465 = arith.constant 0 : i32
    %dma_wait3A_466 = tpu.memref_slice %arg4[%mul3A_2, %dma_wait3A_465] : memref<204800x128xf32, #tpu.memory_space<hbm>> -> memref<128x128xf32, #tpu.memory_space<hbm>>
    %dma_wait3A_467 = arith.constant 0 : i32
    %dma_wait3A_468 = tpu.memref_slice %arg4[%mul3A_2, %dma_wait3A_467] : memref<204800x128xf32, #tpu.memory_space<hbm>> -> memref<128x128xf32, #tpu.memory_space<hbm>>
    %dma_wait3A_469 = arith.constant 0 : i32
    %dma_wait3A_470 = arith.constant 0 : i32
    %dma_wait3A_471 = tpu.memref_slice %arg6[%dma_wait3A_460, %dma_wait3A_469, %dma_wait3A_470] : memref<5x128x128xf32, #tpu.memory_space<vmem>> -> memref<1x128x128xf32, #tpu.memory_space<vmem>>
    %dma_wait3A_472 = tpu.memref_squeeze %dma_wait3A_471 : memref<1x128x128xf32, #tpu.memory_space<vmem>> -> memref<128x128xf32, #tpu.memory_space<vmem>>
    tpu.wait_dma2 semaphore(%arg12 : memref<!tpu.dma_semaphore, #tpu.memory_space<semaphore_mem>>) src(%dma_wait3A_472 : memref<128x128xf32, #tpu.memory_space<vmem>>) dst(%dma_wait3A_468 : memref<128x128xf32, #tpu.memory_space<hbm>>)
    %dma_wait3A_473 = arith.constant 1 : i32
    %dma_wait3A_474 = arith.constant 0 : i32
    %dma_wait3A_475 = arith.constant 0 : i32
    %dma_wait3A_476 = tpu.memref_slice %arg6[%dma_wait3A_473, %dma_wait3A_474, %dma_wait3A_475] : memref<5x128x128xf32, #tpu.memory_space<vmem>> -> memref<1x128x128xf32, #tpu.memory_space<vmem>>
    %dma_wait3A_477 = tpu.memref_squeeze %dma_wait3A_476 : memref<1x128x128xf32, #tpu.memory_space<vmem>> -> memref<128x128xf32, #tpu.memory_space<vmem>>
    %dma_wait3A_478 = arith.constant 0 : i32
    %dma_wait3A_479 = tpu.memref_slice %arg4[%mul3A_2, %dma_wait3A_478] : memref<204800x128xf32, #tpu.memory_space<hbm>> -> memref<128x128xf32, #tpu.memory_space<hbm>>
    %dma_wait3A_480 = arith.constant 0 : i32
    %dma_wait3A_481 = tpu.memref_slice %arg4[%mul3A_2, %dma_wait3A_480] : memref<204800x128xf32, #tpu.memory_space<hbm>> -> memref<128x128xf32, #tpu.memory_space<hbm>>
    %dma_wait3A_482 = arith.constant 0 : i32
    %dma_wait3A_483 = arith.constant 0 : i32
    %dma_wait3A_484 = tpu.memref_slice %arg6[%dma_wait3A_473, %dma_wait3A_482, %dma_wait3A_483] : memref<5x128x128xf32, #tpu.memory_space<vmem>> -> memref<1x128x128xf32, #tpu.memory_space<vmem>>
    %dma_wait3A_485 = tpu.memref_squeeze %dma_wait3A_484 : memref<1x128x128xf32, #tpu.memory_space<vmem>> -> memref<128x128xf32, #tpu.memory_space<vmem>>
    tpu.wait_dma2 semaphore(%arg13 : memref<!tpu.dma_semaphore, #tpu.memory_space<semaphore_mem>>) src(%dma_wait3A_485 : memref<128x128xf32, #tpu.memory_space<vmem>>) dst(%dma_wait3A_481 : memref<128x128xf32, #tpu.memory_space<hbm>>)
    %dma_wait3A_486 = arith.constant 2 : i32
    %dma_wait3A_487 = arith.constant 0 : i32
    %dma_wait3A_488 = arith.constant 0 : i32
    %dma_wait3A_489 = tpu.memref_slice %arg6[%dma_wait3A_486, %dma_wait3A_487, %dma_wait3A_488] : memref<5x128x128xf32, #tpu.memory_space<vmem>> -> memref<1x128x128xf32, #tpu.memory_space<vmem>>
    %dma_wait3A_490 = tpu.memref_squeeze %dma_wait3A_489 : memref<1x128x128xf32, #tpu.memory_space<vmem>> -> memref<128x128xf32, #tpu.memory_space<vmem>>
    %dma_wait3A_491 = arith.constant 0 : i32
    %dma_wait3A_492 = tpu.memref_slice %arg4[%mul3A_2, %dma_wait3A_491] : memref<204800x128xf32, #tpu.memory_space<hbm>> -> memref<128x128xf32, #tpu.memory_space<hbm>>
    %dma_wait3A_493 = arith.constant 0 : i32
    %dma_wait3A_494 = tpu.memref_slice %arg4[%mul3A_2, %dma_wait3A_493] : memref<204800x128xf32, #tpu.memory_space<hbm>> -> memref<128x128xf32, #tpu.memory_space<hbm>>
    %dma_wait3A_495 = arith.constant 0 : i32
    %dma_wait3A_496 = arith.constant 0 : i32
    %dma_wait3A_497 = tpu.memref_slice %arg6[%dma_wait3A_486, %dma_wait3A_495, %dma_wait3A_496] : memref<5x128x128xf32, #tpu.memory_space<vmem>> -> memref<1x128x128xf32, #tpu.memory_space<vmem>>
    %dma_wait3A_498 = tpu.memref_squeeze %dma_wait3A_497 : memref<1x128x128xf32, #tpu.memory_space<vmem>> -> memref<128x128xf32, #tpu.memory_space<vmem>>
    tpu.wait_dma2 semaphore(%arg14 : memref<!tpu.dma_semaphore, #tpu.memory_space<semaphore_mem>>) src(%dma_wait3A_498 : memref<128x128xf32, #tpu.memory_space<vmem>>) dst(%dma_wait3A_494 : memref<128x128xf32, #tpu.memory_space<hbm>>)
    %dma_wait3A_499 = arith.constant 3 : i32
    %dma_wait3A_500 = arith.constant 0 : i32
    %dma_wait3A_501 = arith.constant 0 : i32
    %dma_wait3A_502 = tpu.memref_slice %arg6[%dma_wait3A_499, %dma_wait3A_500, %dma_wait3A_501] : memref<5x128x128xf32, #tpu.memory_space<vmem>> -> memref<1x128x128xf32, #tpu.memory_space<vmem>>
    %dma_wait3A_503 = tpu.memref_squeeze %dma_wait3A_502 : memref<1x128x128xf32, #tpu.memory_space<vmem>> -> memref<128x128xf32, #tpu.memory_space<vmem>>
    %dma_wait3A_504 = arith.constant 0 : i32
    %dma_wait3A_505 = tpu.memref_slice %arg4[%mul3A_2, %dma_wait3A_504] : memref<204800x128xf32, #tpu.memory_space<hbm>> -> memref<128x128xf32, #tpu.memory_space<hbm>>
    %dma_wait3A_506 = arith.constant 0 : i32
    %dma_wait3A_507 = tpu.memref_slice %arg4[%mul3A_2, %dma_wait3A_506] : memref<204800x128xf32, #tpu.memory_space<hbm>> -> memref<128x128xf32, #tpu.memory_space<hbm>>
    %dma_wait3A_508 = arith.constant 0 : i32
    %dma_wait3A_509 = arith.constant 0 : i32
    %dma_wait3A_510 = tpu.memref_slice %arg6[%dma_wait3A_499, %dma_wait3A_508, %dma_wait3A_509] : memref<5x128x128xf32, #tpu.memory_space<vmem>> -> memref<1x128x128xf32, #tpu.memory_space<vmem>>
    %dma_wait3A_511 = tpu.memref_squeeze %dma_wait3A_510 : memref<1x128x128xf32, #tpu.memory_space<vmem>> -> memref<128x128xf32, #tpu.memory_space<vmem>>
    tpu.wait_dma2 semaphore(%arg15 : memref<!tpu.dma_semaphore, #tpu.memory_space<semaphore_mem>>) src(%dma_wait3A_511 : memref<128x128xf32, #tpu.memory_space<vmem>>) dst(%dma_wait3A_507 : memref<128x128xf32, #tpu.memory_space<hbm>>)
    %dma_wait3A_512 = arith.constant 4 : i32
    %dma_wait3A_513 = arith.constant 0 : i32
    %dma_wait3A_514 = arith.constant 0 : i32
    %dma_wait3A_515 = tpu.memref_slice %arg6[%dma_wait3A_512, %dma_wait3A_513, %dma_wait3A_514] : memref<5x128x128xf32, #tpu.memory_space<vmem>> -> memref<1x128x128xf32, #tpu.memory_space<vmem>>
    %dma_wait3A_516 = tpu.memref_squeeze %dma_wait3A_515 : memref<1x128x128xf32, #tpu.memory_space<vmem>> -> memref<128x128xf32, #tpu.memory_space<vmem>>
    %dma_wait3A_517 = arith.constant 0 : i32
    %dma_wait3A_518 = tpu.memref_slice %arg4[%mul3A_2, %dma_wait3A_517] : memref<204800x128xf32, #tpu.memory_space<hbm>> -> memref<128x128xf32, #tpu.memory_space<hbm>>
    %dma_wait3A_519 = arith.constant 0 : i32
    %dma_wait3A_520 = tpu.memref_slice %arg4[%mul3A_2, %dma_wait3A_519] : memref<204800x128xf32, #tpu.memory_space<hbm>> -> memref<128x128xf32, #tpu.memory_space<hbm>>
    %dma_wait3A_521 = arith.constant 0 : i32
    %dma_wait3A_522 = arith.constant 0 : i32
    %dma_wait3A_523 = tpu.memref_slice %arg6[%dma_wait3A_512, %dma_wait3A_521, %dma_wait3A_522] : memref<5x128x128xf32, #tpu.memory_space<vmem>> -> memref<1x128x128xf32, #tpu.memory_space<vmem>>
    %dma_wait3A_524 = tpu.memref_squeeze %dma_wait3A_523 : memref<1x128x128xf32, #tpu.memory_space<vmem>> -> memref<128x128xf32, #tpu.memory_space<vmem>>
    tpu.wait_dma2 semaphore(%arg16 : memref<!tpu.dma_semaphore, #tpu.memory_space<semaphore_mem>>) src(%dma_wait3A_524 : memref<128x128xf32, #tpu.memory_space<vmem>>) dst(%dma_wait3A_520 : memref<128x128xf32, #tpu.memory_space<hbm>>)
    return
  }
}

</mosaic_0001>

<sc_bundles>
// kernel: kernel.3.cloned.1.call-start
scs
__scs_entry_jumppad:
0x0: {  	(pc) =	sbr.rel $0x88, $3  }
0x1: {  	(tag) =	ssettag $0x0;
	lr =	simm.s32 $0x1  }
0x2: {  	[smem:$0x3F9F] =	sst lr;
	_ =	strace $0xD0000000  }
0x3: {  	_ = 	snop  }
0x4: {  	_ = 	snop  }
0x5: {  	_ = 	snop  }
0x6: {  	_ = 	snop  }
0x7: {  	_ = 	snop  }
__scs_overlays_trampoline_lowered:
0x8: {  	[smem:$0x3FAE] =	sst s0  }
0x9: {  	[smem:$0x3FAF] =	sst s1  }
0xa: {  	[smem:$0x3FB0] =	sst s2  }
0xb: {  	[smem:$0x3FB1] =	sst s3  }
0xc: {  	[smem:$0x3FB2] =	sst s4  }
0xd: {  	[smem:$0x3FB3] =	sst s5  }
0xe: {  	[smem:$0x3FB4] =	sst s6  }
0xf: {  	[smem:$0x3FB5] =	sst s7  }
0x10: {  	[smem:$0x3FB6] =	sst s8  }
0x11: {  	[smem:$0x3FB7] =	sst s9;
	s0 =	simm.s32 @!p0 $0x0  }
0x12: {  	s1 =	sld [smem:$0x3F9D];
	s0 =	simm.s32 @p0 $0x1  }
0x13: {  	[smem:$0x3FB8] =	sst s0;
	s0 =	simm.s32 @!p1 $0x0  }
0x14: {  	s2 =	sld [smem:$0x3F9C];
	s0 =	simm.s32 @p1 $0x1  }
0x15: {  	[smem:$0x3FB9] =	sst s0;
	s0 =	simm.s32 @!p2 $0x0  }
0x16: {  	s3 =	sld [smem:$0x3FDB];
	s0 =	simm.s32 @p2 $0x1  }
0x17: {  	s4 =	simm.s32 $0x1BF5;
	[smem:$0x3FBB] =	sst s0  }
0x18: {  	s0 =	sld [smem:$0x3F9E];
	_ =	swait.ge [sflag:s4], $0x0  }
0x19: {  	s7 =	sld [smem:$0x3F9F]  }
0x1a: {  	s8 =	sadd.s32 $0xFFFFE003, lr  }
0x1b: {  	s9 =	sadd.s32 $0xFFFFFEF7, lr;
	s5 =	simm.s32 $0xFFFFFFFF;
	p2 =	slt.u32 s8, $0xFFFFF086  }
0x1c: {  	p1 =	slt.u32 s9, $0xF7A;
	s5 =	simm.s32 @!p2 $0x0  }
0x1d: {  	s5 =	simm.s32 @p1 $0x1;
	p0 =	seq.s32 s7, s2  }
0x1e: {  	s7 =	smul.u32 @!p0 $0xF7A, s2;
	p2 =	seq.s32 @!p0 s5, $0x0  }
0x1f: {  	s9 =	smul.u32 $0xF7A, s1;
	s8 =	simm.s32 @!p0 $0x1BF5;
	p2 =	por !p2, p0  }
0x20: {  	[sflag:s8] =	ssyncset.s32 @!p0 $0xFFFFF086;
	s6 =	sadd.s32 @!p0 s3, s7;
	s7 =	simm.s32 @!p0 $0x108  }
0x21: {  	s3 =	sadd.s32 s3, s9;
	s6 =	sadd.s32 @!p0 $0x88, s6;
	s7 =	simm.s32 @p2 $0x1082  }
0x22: {  	[simem:s7], [sflag:s8] =	dma.local @!p0 [hbm:s6], $0xF7A  }
0x23: {  	s9 =	sor.u32 $0xD0000000, s2;
	s6 =	simm.s32 $0x108;
	_ =	swait.ge @!p0 [sflag:s8], $0x0  }
0x24: {  	s3 =	sadd.s32 $0x88, s3;
	s6 =	simm.s32 @!p1 $0x1082;
	[sflag:s4] =	ssyncset.s32 $0xFFFFF086  }
0x25: {  	[simem:s6], [sflag:s4] =	dma.local [hbm:s3], $0xF7A  }
0x26: {  	[smem:$0x3F9F] =	sst s1;
	(tag) =	ssettag s2;
	_ =	strace s9  }
0x27: {  	s1 =	sld [smem:$0x3FAF]  }
0x28: {  	s2 =	sld [smem:$0x3FB0]  }
0x29: {  	s4 =	sld [smem:$0x3FB2]  }
0x2a: {  	p0 =	seq.s32 s5, $0x0;
	s5 =	sld [smem:$0x3FB3]  }
0x2b: {  	s6 =	sld [smem:$0x3FB4]  }
0x2c: {  	s7 =	sld [smem:$0x3FB5]  }
0x2d: {  	s3 =	simm.s32 $0x108;
	s8 =	sld [smem:$0x3FB6]  }
0x2e: {  	s3 =	simm.s32 @!p0 $0x1082;
	s9 =	sld [smem:$0x3FB7]  }
0x2f: {  	lr =	sadd.s32 s0, s3;
	s0 =	sld [smem:$0x3FAE]  }
0x30: {  	s3 =	sld [smem:$0x3FB1]  }
0x31: {  	[smem:$0x3FBA] =	sst s10  }
0x32: {  	s10 =	sld [smem:$0x3FB8];
	_ =	sdelay $0x3  }
0x33: {  	p0 =	seq.s32 s10, $0x1;
	s10 =	sld [smem:$0x3FBA];
	_ =	sdelay $0x3  }
0x34: {  	[smem:$0x3FBA] =	sst s10  }
0x35: {  	s10 =	sld [smem:$0x3FB9];
	_ =	sdelay $0x3  }
0x36: {  	p1 =	seq.s32 s10, $0x1;
	s10 =	sld [smem:$0x3FBA];
	_ =	sdelay $0x3  }
0x37: {  	[smem:$0x3FBA] =	sst s10  }
0x38: {  	s10 =	sld [smem:$0x3FBB]  }
0x39: {  	_ = 	snop;
	(pc) =	sbr.ind lr, $3  }
0x3a: {  	_ = 	snop  }
0x3b: {  	_ = 	snop  }
0x3c: {  	p2 =	seq.s32 s10, $0x1;
	s10 =	sld [smem:$0x3FBA]  }
0x3d: {  	_ =	shalt  }
0x3e: {  	_ =	shalt  }
0x3f: {  	_ =	shalt  }
0x40: {  	_ =	shalt  }
0x41: {  	_ =	shalt  }
0x42: {  	_ =	shalt  }
0x43: {  	_ =	shalt  }
0x44: {  	_ =	shalt  }
0x45: {  	_ =	shalt  }
0x46: {  	_ =	shalt  }
0x47: {  	_ =	shalt  }
0x48: {  	_ =	shalt  }
0x49: {  	_ =	shalt  }
0x4a: {  	_ =	shalt  }
0x4b: {  	_ =	shalt  }
0x4c: {  	_ =	shalt  }
0x4d: {  	_ =	shalt  }
0x4e: {  	_ =	shalt  }
0x4f: {  	_ =	shalt  }
0x50: {  	_ =	shalt  }
0x51: {  	_ =	shalt  }
0x52: {  	_ =	shalt  }
0x53: {  	_ =	shalt  }
0x54: {  	_ =	shalt  }
0x55: {  	_ =	shalt  }
0x56: {  	_ =	shalt  }
0x57: {  	_ =	shalt  }
0x58: {  	_ =	shalt  }
0x59: {  	_ =	shalt  }
0x5a: {  	_ =	shalt  }
0x5b: {  	_ =	shalt  }
0x5c: {  	_ =	shalt  }
0x5d: {  	_ =	shalt  }
0x5e: {  	_ =	shalt  }
0x5f: {  	_ =	shalt  }
0x60: {  	_ =	shalt  }
0x61: {  	_ =	shalt  }
0x62: {  	_ =	shalt  }
0x63: {  	_ =	shalt  }
0x64: {  	_ =	shalt  }
0x65: {  	_ =	shalt  }
0x66: {  	_ =	shalt  }
0x67: {  	_ =	shalt  }
0x68: {  	_ =	shalt  }
0x69: {  	_ =	shalt  }
0x6a: {  	_ =	shalt  }
0x6b: {  	_ =	shalt  }
0x6c: {  	_ =	shalt  }
0x6d: {  	_ =	shalt  }
0x6e: {  	_ =	shalt  }
0x6f: {  	_ =	shalt  }
0x70: {  	_ =	shalt  }
0x71: {  	_ =	shalt  }
0x72: {  	_ =	shalt  }
0x73: {  	_ =	shalt  }
0x74: {  	_ =	shalt  }
0x75: {  	_ =	shalt  }
0x76: {  	_ =	shalt  }
0x77: {  	_ =	shalt  }
0x78: {  	_ =	shalt  }
0x79: {  	_ =	shalt  }
0x7a: {  	_ =	shalt  }
0x7b: {  	_ =	shalt  }
0x7c: {  	_ =	shalt  }
0x7d: {  	_ =	shalt  }
0x7e: {  	_ =	shalt  }
0x7f: {  	_ =	shalt  }
0x80: {  	_ =	shalt  }
0x81: {  	_ =	shalt  }
0x82: {  	_ =	shalt  }
0x83: {  	_ =	shalt  }
0x84: {  	_ =	shalt  }
0x85: {  	_ =	shalt  }
0x86: {  	_ =	shalt  }
0x87: {  	_ =	shalt  }
.Lfunc_end0:
.L_simem_size_0:
called_computation_lowered:
.L_overlay_start_0:
0x88: {  	s2 =	sld [smem:$0x3FD9]  }
0x89: {  	s3 =	sld [smem:$0x3FFE];
	_ =	sdelay $0x1  }
0x8a: {  	s1 =	srdreg.scid  }
0x8b: {  	s0 =	sand.u32 $0x1, s1  }
0x8c: {  	s17 =	sshll.u32 s0, $0xA;
	s2 =	sadd.s32 s3, s2  }
0x8d: {  	s2 =	sadd.s32 s2, s17  }
0x8e: {  	[smem:$0x3FC6] =	sst s2  }
0x8f: {  	_ = 	snop  }
0x90: {  	s2 =	sld [smem:$0x3FC8]  }
0x91: {  	s18 =	sld [smem:$0x3FD0];
	(tm) =	ssettm $0x1  }
0x92: {  	s4 =	sld [smem:$0x3FFB];
	_ =	sdelay $0x3  }
0x93: {  	_ =	strace s4  }
0x94: {  	s4 =	sld [smem:$0x3FFC];
	_ =	sdelay $0x3  }
0x95: {  	_ =	strace s4  }
0x96: {  	s4 =	sld [smem:$0x3FFD];
	_ =	sdelay $0x3  }
0x97: {  	_ =	strace s4  }
0x98: {  	_ =	strace $0x8FFFFFFF  }
0x99: {  	s19 =	sld [smem:$0x3FDB];
	_ =	sdelay $0x1  }
0x9a: {  	s5 =	simm.s32 $_scs_section_size  }
0x9b: {  	s6 =	simm.s32 $_size__tile_overlayer_lowered;
	s7 =	simm.s32 $_tile_overlayer_lowered  }
0x9c: {  	s22 =	simm.s32 $0x1BFF;
	s21 =	sshll.u32 s7, $0x1;
	s4 =	sadd.s32 s5, s19  }
0x9d: {  	s8 =	simm.s32 $0x0;
	s20 =	sshll.u32 s6, $0x1;
	s6 =	sadd.s32 s21, s4  }
0x9e: {  	[timem:s8], [sflag:s22] =	dma.local [hbm:s6], s20  }
0x9f: {  	_ =	swait.ge [sflag:s22], s20  }
0xa0: {  	s5 =	ssub.s32 $0x0, s20;
	[sflag:s22] =	ssyncset.done $0x0  }
0xa1: {  	[sflag:s22] =	ssyncadd.s32 s5;
	_ =	sdelay $0x1  }
0xa2: {  	s23 =	simm.s32 $0x1B8B  }
0xa3: {  	_ =	swait.ge [sflag:s23], $0x1  }
0xa4: {  	[sflag:s23] =	ssyncset.done $0x0  }
0xa5: {  	s25 =	simm.s32 $0x1B8E;
	s24 =	sld [smem:$0x3FFE];
	[sflag:s23] =	ssyncadd.s32 $0xFFFFFFFF  }
0xa6: {  	s26 =	simm.s32 $execute0_lowered;
	[smem:$0x3FD2] =	sst s25  }
0xa7: {  	s6 =	sshll.u32 s26, $0x1;
	_ =	strace $0x80000046;
	[dreg:$0x1] =	wrdreg $0xFFFFFFFF  }
0xa8: {  	s28 =	simm.s32 $_size_execute0_lowered;
	s4 =	sadd.s32 s4, s6;
	[dreg:$0x0] =	wrdreg $0x0  }
0xa9: {  	s6 =	sshll.u32 s28, $0x1;
	[dreg:$0x2] =	wrdreg s4  }
0xaa: {  	[dreg:$0x3] =	wrdreg s6  }
0xab: {  	[dreg:$0x4] =	wrdreg $0xC0  }
0xac: {  	_ =	task [dreg:s8], $0x5FFFF  }
0xad: {  	[dreg:$0x1] =	wrdreg $0xFFFFFFFF  }
0xae: {  	[dreg:$0x0] =	wrdreg $0x60  }
0xaf: {  	[dreg:$0x2] =	wrdreg s2  }
0xb0: {  	[dreg:$0x3] =	wrdreg s24  }
0xb1: {  	[dreg:$0x4] =	wrdreg s18  }
0xb2: {  	[dreg:$0x5] =	wrdreg $0x9  }
0xb3: {  	_ =	task.clear_ibuf [dreg:s8], $0x6FFFF;
	_ =	strace $0x90000046  }
0xb4: {  	s29 =	simm.s32 $0x9;
	_ =	strace $0x80000048  }
0xb5: {  	_ =	swait.ge [sflag:s29], $0x1  }
0xb6: {  	[sflag:s29] =	ssyncadd.s32 $0xFFFFFFFF  }
0xb7: {  	_ =	strace $0x90000048  }
0xb8: {  	_ =	sfence  }
0xb9: {  	s30 =	sld [smem:$0x0];
	_ =	sdelay $0x2  }
0xba: {  	s31 =	sshll.u32 s1, $0xD;
	s1 =	sshrl.u32 s1, $0x2  }
0xbb: {  	s3 =	sand.u32 $0x4000, s31;
	s1 =	sadd.s32 s1, s30  }
0xbc: {  	s0 =	sor.u32 s3, s0;
	s1 =	sshll.u32 s1, $0x11  }
0xbd: {  	s0 =	sor.u32 s1, s0  }
0xbe: {  	s0 =	sadd.s32 $0x8F2B, s0  }
0xbf: {  	[sflag:s0] =	ssyncadd.remote.s32 $0x1  }
0xc0: {  	_ =	sfence.sel $0xFFFF  }
0xc1: {  	[dreg:$0x0] =	wrdreg $0xFFFFFFFF;
	(pc) =	sbr.abs _section_cstart, $3  }
0xc2: {  	[dreg:$0x1] =	wrdreg $0xFFFFFFFF  }
0xc3: {  	_ =	task.clear_ibuf [dreg:s8], $0x2FFFF;
	_ =	strace $0x9FFFFFFF  }
0xc4: {  	(tm) =	ssettm $0x7FFFFFFF  }
0xc5: {  	_ =	shalt  }
tec
execute0_lowered:
.L_overlay_start_1:
0x0: {  	(tag) =	ssettag $0x1  }
0x1: {  	s1 =	rddreg [dreg:$0x0]  }
0x2: {  	s0 =	srdreg.scid;
	s2 =	rddreg [dreg:$0x1]  }
0x3: {  	s9 =	stileid.u32;
	s5 =	rddreg [dreg:$0x2]  }
0x4: {  	s17 =	simm.s32 $0xB;
	s18 =	simm.s32 $0x80;
	s28 =	simm.s32 $0x11C00  }
0x5: {  	s0 =	sand.u32 $0x1, s0;
	s3 =	sshll.u32 s9, $0x1;
	s24 =	smul.u32 $0x32000, s9  }
0x6: {  	s4 =	sor.u32 s0, s3;
	s8 =	ssub.s32 $0x2, s0;
	s0 =	smul.u32 $0x19000, s0  }
0x7: {  	s29 =	simm.s32 $0x2;
	s30 =	simm.s32 $0x6;
	s6 =	smul.u32 $0x380, s4  }
0x8: {  	s31 =	simm.s32 $0x9;
	s3 =	simm.s32 $0x0;
	s7 =	smul.u32 $0xC8000, s4  }
0x9: {  	[smem:$0x7FF] =	sst s3;
	s4 =	smul.u32 $0x19000, s4;
	s19 =	sshrl.u32 s8, $0x1  }
0xa: {  	_ =	strace $0x80000047;
	s2 =	sadd.s32 s6, s2;
	s7 =	sshrl.u32 s7, $0x3  }
0xb: {  	s6 =	ssub.s32 s8, s19;
	s4 =	sadd.s32 s5, s4;
	s19 =	simm.s32 $0x1C00  }
0xc: {  	s7 =	sadd.s32 s5, s7;
	s2 =	sadd.s32 $0x400, s2;
	s20 =	sadd.s32 $0x800, s4  }
0xd: {  	s15 =	smax.u32 s6, $0x1;
	s6 =	simm.s32 $0x0;
	[dreg:$0x4] =	wrdreg s2  }
0xe: {  	[dreg:$0x5] =	wrdreg s20;
	s21 =	sadd.s32 $0x1000, s7;
	s22 =	sadd.s32 $0x1800, s7  }
0xf: {  	s23 =	sadd.s32 $0x2000, s7;
	s25 =	sadd.s32 $0x16800, s7;
	[dreg:$0x6] =	wrdreg s21  }
0x10: {  	s26 =	sadd.s32 $0x17000, s7;
	s12 =	sadd.s32 $0x17800, s7;
	[dreg:$0x7] =	wrdreg s22  }
0x11: {  	s13 =	sadd.s32 $0x18000, s7;
	s2 =	sadd.s32 s24, s5;
	[dreg:$0x8] =	wrdreg s23  }
0x12: {  	s14 =	sadd.s32 $0x18800, s7;
	s20 =	simm.s32 $0x5C00;
	[dreg:$0x9] =	wrdreg s25  }
0x13: {  	s24 =	simm.s32 $0xDC00;
	s5 =	simm.s32 $0xA;
	[dreg:$0xa] =	wrdreg s26  }
0x14: {  	s0 =	sadd.s32 s0, s2;
	s22 =	simm.s32 $0x9C00;
	s25 =	simm.s32 $0x1  }
0x15: {  	s2 =	simm.s32 $0x3;
	s23 =	simm.s32 $0x4;
	s26 =	simm.s32 $0x8  }
0x16: {  	s21 =	simm.s32 $0x5;
	s9 =	sadd.s32 $0x4800, s0;
	s0 =	simm.s32 $0x7  }
.LBB2_1:
0x17: {  	s7 =	rddreg [dreg:$0x4]  }
0x18: {  	[tilespmem:s3], [sflag:$0xB] =	stream.linear.gather [hbm4b:s7+s3], $0x1900, $0x38;
	[tilespmem:$0x15C00] =	vst v63  }
0x19: {  	_ =	swait.ge [sflag:s17], $0x1900  }
0x1a: {  	[sflag:s17] =	ssyncset.done $0x0  }
0x1b: {  	[sflag:s17] =	ssyncadd.s32 $0xFFFFE700  }
0x1c: {  	[tilespmem:s19], [sflag:$0x1] =	stream.indirect.gather [hbm4b:s1+s18], $0x80, s3, s18, $0xb8;
	[tilespmem:$0x15C00] =	vst v63  }
0x1d: {  	_ = 	snop  }
0x1e: {  	[tilespmem:s20], [sflag:$0x2] =	stream.indirect.gather [hbm4b:s1+s18], $0x80, s18, s18, $0xb8;
	[tilespmem:$0x15C00] =	vst v63  }
0x1f: {  	s10 =	simm.s32 $0x100  }
0x20: {  	[tilespmem:s22], [sflag:$0x3] =	stream.indirect.gather [hbm4b:s1+s18], $0x80, s10, s18, $0xb8;
	[tilespmem:$0x15C00] =	vst v63  }
0x21: {  	s11 =	simm.s32 $0x180  }
0x22: {  	[tilespmem:s24], [sflag:$0x4] =	stream.indirect.gather [hbm4b:s1+s18], $0x80, s11, s18, $0xb8;
	[tilespmem:$0x15C00] =	vst v63  }
0x23: {  	_ =	swait.ge [sflag:s25], $0x4000  }
0x24: {  	[sflag:s25] =	ssyncset.done $0x0  }
0x25: {  	[sflag:s25] =	ssyncadd.s32 $0xFFFFC000  }
0x26: {  	[hbm4b:s4+s3] =	stream.linear.scatter [tilespmem:s19], [sflag:$0x6], $0x4000, $0x38;
	[tilespmem:$0x15C00] =	vst v63  }
0x27: {  	s16 =	simm.s32 $0x200  }
0x28: {  	[tilespmem:s28], [sflag:$0x5] =	stream.indirect.gather [hbm4b:s1+s18], $0x80, s16, s18, $0xb8;
	[tilespmem:$0x15C00] =	vst v63  }
0x29: {  	_ =	swait.ge [sflag:s29], $0x4000  }
0x2a: {  	[sflag:s29] =	ssyncset.done $0x0  }
0x2b: {  	s8 =	rddreg [dreg:$0x5];
	[sflag:s29] =	ssyncadd.s32 $0xFFFFC000  }
0x2c: {  	[hbm4b:s8+s3] =	stream.linear.scatter [tilespmem:s20], [sflag:$0x7], $0x4000, $0x38;
	[tilespmem:$0x15C00] =	vst v63  }
0x2d: {  	_ =	swait.ge [sflag:s30], $0x4000  }
0x2e: {  	[sflag:s30] =	ssyncset.done $0x0  }
0x2f: {  	s10 =	simm.s32 $0x280;
	[sflag:s30] =	ssyncadd.s32 $0xFFFFC000  }
0x30: {  	[tilespmem:s19], [sflag:$0x1] =	stream.indirect.gather [hbm4b:s1+s18], $0x80, s10, s18, $0xb8;
	[tilespmem:$0x15C00] =	vst v63  }
0x31: {  	_ =	swait.ge [sflag:s2], $0x4000  }
0x32: {  	[sflag:s2] =	ssyncset.done $0x0  }
0x33: {  	s11 =	rddreg [dreg:$0x6];
	[sflag:s2] =	ssyncadd.s32 $0xFFFFC000  }
0x34: {  	[hbm4b:s11+s3] =	stream.linear.scatter [tilespmem:s22], [sflag:$0x8], $0x4000, $0x38;
	[tilespmem:$0x15C00] =	vst v63  }
0x35: {  	_ =	swait.ge [sflag:s0], $0x4000  }
0x36: {  	[sflag:s0] =	ssyncset.done $0x0  }
0x37: {  	s16 =	simm.s32 $0x300;
	[sflag:s0] =	ssyncadd.s32 $0xFFFFC000  }
0x38: {  	[tilespmem:s20], [sflag:$0x2] =	stream.indirect.gather [hbm4b:s1+s18], $0x80, s16, s18, $0xb8;
	[tilespmem:$0x15C00] =	vst v63  }
0x39: {  	_ =	swait.ge [sflag:s23], $0x4000  }
0x3a: {  	[sflag:s23] =	ssyncset.done $0x0  }
0x3b: {  	s8 =	rddreg [dreg:$0x7];
	[sflag:s23] =	ssyncadd.s32 $0xFFFFC000  }
0x3c: {  	[hbm4b:s8+s3] =	stream.linear.scatter [tilespmem:s24], [sflag:$0x9], $0x4000, $0x38;
	[tilespmem:$0x15C00] =	vst v63  }
0x3d: {  	_ =	swait.ge [sflag:s26], $0x4000  }
0x3e: {  	[sflag:s26] =	ssyncset.done $0x0  }
0x3f: {  	s10 =	simm.s32 $0x380;
	[sflag:s26] =	ssyncadd.s32 $0xFFFFC000  }
0x40: {  	[tilespmem:s22], [sflag:$0x3] =	stream.indirect.gather [hbm4b:s1+s18], $0x80, s10, s18, $0xb8;
	[tilespmem:$0x15C00] =	vst v63  }
0x41: {  	_ =	swait.ge [sflag:s21], $0x4000  }
0x42: {  	[sflag:s21] =	ssyncset.done $0x0  }
0x43: {  	s11 =	rddreg [dreg:$0x8];
	[sflag:s21] =	ssyncadd.s32 $0xFFFFC000  }
0x44: {  	[hbm4b:s11+s3] =	stream.linear.scatter [tilespmem:s28], [sflag:$0xA], $0x4000, $0x38;
	[tilespmem:$0x15C00] =	vst v63  }
0x45: {  	_ =	swait.ge [sflag:s31], $0x4000  }
0x46: {  	[sflag:s31] =	ssyncset.done $0x0  }
0x47: {  	s16 =	simm.s32 $0x400;
	[sflag:s31] =	ssyncadd.s32 $0xFFFFC000  }
0x48: {  	[tilespmem:s24], [sflag:$0x4] =	stream.indirect.gather [hbm4b:s1+s18], $0x80, s16, s18, $0xb8;
	[tilespmem:$0x15C00] =	vst v63  }
0x49: {  	_ =	swait.ge [sflag:s25], $0x4000  }
0x4a: {  	[sflag:s25] =	ssyncset.done $0x0  }
0x4b: {  	s8 =	sadd.s32 $0xFFFFE000, s9;
	[sflag:s25] =	ssyncadd.s32 $0xFFFFC000  }
0x4c: {  	[hbm4b:s8+s3] =	stream.linear.scatter [tilespmem:s19], [sflag:$0x6], $0x4000, $0x38;
	[tilespmem:$0x15C00] =	vst v63  }
0x4d: {  	_ =	swait.ge [sflag:s5], $0x4000  }
0x4e: {  	[sflag:s5] =	ssyncset.done $0x0  }
0x4f: {  	s10 =	simm.s32 $0x480;
	[sflag:s5] =	ssyncadd.s32 $0xFFFFC000  }
0x50: {  	[tilespmem:s28], [sflag:$0x5] =	stream.indirect.gather [hbm4b:s1+s18], $0x80, s10, s18, $0xb8;
	[tilespmem:$0x15C00] =	vst v63  }
0x51: {  	_ =	swait.ge [sflag:s29], $0x4000  }
0x52: {  	[sflag:s29] =	ssyncset.done $0x0  }
0x53: {  	s11 =	sadd.s32 $0xFFFFE800, s9;
	[sflag:s29] =	ssyncadd.s32 $0xFFFFC000  }
0x54: {  	[hbm4b:s11+s3] =	stream.linear.scatter [tilespmem:s20], [sflag:$0x7], $0x4000, $0x38;
	[tilespmem:$0x15C00] =	vst v63  }
0x55: {  	_ =	swait.ge [sflag:s30], $0x4000  }
0x56: {  	[sflag:s30] =	ssyncset.done $0x0  }
0x57: {  	s16 =	simm.s32 $0x500;
	[sflag:s30] =	ssyncadd.s32 $0xFFFFC000  }
0x58: {  	[tilespmem:s19], [sflag:$0x1] =	stream.indirect.gather [hbm4b:s1+s18], $0x80, s16, s18, $0xb8;
	[tilespmem:$0x15C00] =	vst v63  }
0x59: {  	_ =	swait.ge [sflag:s2], $0x4000  }
0x5a: {  	[sflag:s2] =	ssyncset.done $0x0  }
0x5b: {  	s8 =	sadd.s32 $0xFFFFF000, s9;
	[sflag:s2] =	ssyncadd.s32 $0xFFFFC000  }
0x5c: {  	[hbm4b:s8+s3] =	stream.linear.scatter [tilespmem:s22], [sflag:$0x8], $0x4000, $0x38;
	[tilespmem:$0x15C00] =	vst v63  }
0x5d: {  	_ =	swait.ge [sflag:s0], $0x4000  }
0x5e: {  	[sflag:s0] =	ssyncset.done $0x0  }
0x5f: {  	s10 =	simm.s32 $0x580;
	[sflag:s0] =	ssyncadd.s32 $0xFFFFC000  }
0x60: {  	[tilespmem:s20], [sflag:$0x2] =	stream.indirect.gather [hbm4b:s1+s18], $0x80, s10, s18, $0xb8;
	[tilespmem:$0x15C00] =	vst v63  }
0x61: {  	_ =	swait.ge [sflag:s23], $0x4000  }
0x62: {  	[sflag:s23] =	ssyncset.done $0x0  }
0x63: {  	s11 =	sadd.s32 $0xFFFFF800, s9;
	[sflag:s23] =	ssyncadd.s32 $0xFFFFC000  }
0x64: {  	[hbm4b:s11+s3] =	stream.linear.scatter [tilespmem:s24], [sflag:$0x9], $0x4000, $0x38;
	[tilespmem:$0x15C00] =	vst v63  }
0x65: {  	_ =	swait.ge [sflag:s26], $0x4000  }
0x66: {  	[sflag:s26] =	ssyncset.done $0x0  }
0x67: {  	s16 =	simm.s32 $0x600;
	[sflag:s26] =	ssyncadd.s32 $0xFFFFC000  }
0x68: {  	[tilespmem:s22], [sflag:$0x3] =	stream.indirect.gather [hbm4b:s1+s18], $0x80, s16, s18, $0xb8;
	[tilespmem:$0x15C00] =	vst v63  }
0x69: {  	_ =	swait.ge [sflag:s21], $0x4000  }
0x6a: {  	s7 =	simm.s32 $0xA00;
	[sflag:s21] =	ssyncset.done $0x0  }
0x6b: {  	s8 =	sadd.s32 $0x2800, s9;
	s16 =	smov.u32 s9;
	[sflag:s21] =	ssyncadd.s32 $0xFFFFC000  }
.LBB2_2:
0x6c: {  	[hbm4b:s16+s3] =	stream.linear.scatter [tilespmem:s28], [sflag:$0xA], $0x4000, $0x38;
	[tilespmem:$0x15C00] =	vst v63  }
0x6d: {  	s10 =	smov.u32 s7;
	s16 =	smov.u32 s8  }
0x6e: {  	p0 =	sne.s32 s7, $0x4600;
	s7 =	sadd.s32 $0xA00, s7;
	_ =	swait.ge [sflag:s31], $0x4000  }
0x6f: {  	s10 =	sshra.s32 s10, $0x2;
	[sflag:s31] =	ssyncset.done $0x0  }
0x70: {  	s11 =	sadd.s32 $0x400, s10;
	[sflag:s31] =	ssyncadd.s32 $0xFFFFC000  }
0x71: {  	[tilespmem:s24], [sflag:$0x4] =	stream.indirect.gather [hbm4b:s1+s18], $0x80, s11, s18, $0xb8;
	[tilespmem:$0x15C00] =	vst v63  }
0x72: {  	_ =	swait.ge [sflag:s25], $0x4000  }
0x73: {  	[sflag:s25] =	ssyncset.done $0x0  }
0x74: {  	s11 =	sadd.s32 $0xFFFFE000, s8;
	[sflag:s25] =	ssyncadd.s32 $0xFFFFC000  }
0x75: {  	[hbm4b:s11+s3] =	stream.linear.scatter [tilespmem:s19], [sflag:$0x6], $0x4000, $0x38;
	[tilespmem:$0x15C00] =	vst v63  }
0x76: {  	_ =	swait.ge [sflag:s5], $0x4000  }
0x77: {  	[sflag:s5] =	ssyncset.done $0x0  }
0x78: {  	s11 =	sadd.s32 $0x480, s10;
	[sflag:s5] =	ssyncadd.s32 $0xFFFFC000  }
0x79: {  	[tilespmem:s28], [sflag:$0x5] =	stream.indirect.gather [hbm4b:s1+s18], $0x80, s11, s18, $0xb8;
	[tilespmem:$0x15C00] =	vst v63  }
0x7a: {  	_ =	swait.ge [sflag:s29], $0x4000  }
0x7b: {  	[sflag:s29] =	ssyncset.done $0x0  }
0x7c: {  	s11 =	sadd.s32 $0xFFFFE800, s8;
	[sflag:s29] =	ssyncadd.s32 $0xFFFFC000  }
0x7d: {  	[hbm4b:s11+s3] =	stream.linear.scatter [tilespmem:s20], [sflag:$0x7], $0x4000, $0x38;
	[tilespmem:$0x15C00] =	vst v63  }
0x7e: {  	_ =	swait.ge [sflag:s30], $0x4000  }
0x7f: {  	[sflag:s30] =	ssyncset.done $0x0  }
0x80: {  	s11 =	sadd.s32 $0x500, s10;
	[sflag:s30] =	ssyncadd.s32 $0xFFFFC000  }
0x81: {  	[tilespmem:s19], [sflag:$0x1] =	stream.indirect.gather [hbm4b:s1+s18], $0x80, s11, s18, $0xb8;
	[tilespmem:$0x15C00] =	vst v63  }
0x82: {  	_ =	swait.ge [sflag:s2], $0x4000  }
0x83: {  	[sflag:s2] =	ssyncset.done $0x0  }
0x84: {  	s11 =	sadd.s32 $0xFFFFF000, s8;
	[sflag:s2] =	ssyncadd.s32 $0xFFFFC000  }
0x85: {  	[hbm4b:s11+s3] =	stream.linear.scatter [tilespmem:s22], [sflag:$0x8], $0x4000, $0x38;
	[tilespmem:$0x15C00] =	vst v63  }
0x86: {  	_ =	swait.ge [sflag:s0], $0x4000  }
0x87: {  	[sflag:s0] =	ssyncset.done $0x0  }
0x88: {  	s11 =	sadd.s32 $0x580, s10;
	[sflag:s0] =	ssyncadd.s32 $0xFFFFC000  }
0x89: {  	[tilespmem:s20], [sflag:$0x2] =	stream.indirect.gather [hbm4b:s1+s18], $0x80, s11, s18, $0xb8;
	[tilespmem:$0x15C00] =	vst v63  }
0x8a: {  	_ =	swait.ge [sflag:s23], $0x4000  }
0x8b: {  	[sflag:s23] =	ssyncset.done $0x0  }
0x8c: {  	s11 =	sadd.s32 $0xFFFFF800, s8;
	[sflag:s23] =	ssyncadd.s32 $0xFFFFC000  }
0x8d: {  	[hbm4b:s11+s3] =	stream.linear.scatter [tilespmem:s24], [sflag:$0x9], $0x4000, $0x38;
	[tilespmem:$0x15C00] =	vst v63  }
0x8e: {  	_ =	swait.ge [sflag:s26], $0x4000  }
0x8f: {  	[sflag:s26] =	ssyncset.done $0x0  }
.Ltmp0:
0x90: {  	s10 =	sadd.s32 $0x600, s10;
	[sflag:s26] =	ssyncadd.s32 $0xFFFFC000;
	(pc) =	sbr.rel @p0 .LBB2_2-.Ltmp0, $4  }
0x91: {  	[tilespmem:s22], [sflag:$0x3] =	stream.indirect.gather [hbm4b:s1+s18], $0x80, s10, s18, $0xb8;
	[tilespmem:$0x15C00] =	vst v63  }
0x92: {  	_ =	swait.ge [sflag:s21], $0x4000  }
0x93: {  	[sflag:s21] =	ssyncset.done $0x0  }
0x94: {  	s8 =	sadd.s32 $0x2800, s8;
	[sflag:s21] =	ssyncadd.s32 $0xFFFFC000  }
0x95: {  	[hbm4b:s16+s3] =	stream.linear.scatter [tilespmem:s28], [sflag:$0xA], $0x4000, $0x38;
	[tilespmem:$0x15C00] =	vst v63  }
0x96: {  	_ =	swait.ge [sflag:s31], $0x4000  }
0x97: {  	[sflag:s31] =	ssyncset.done $0x0  }
0x98: {  	s7 =	simm.s32 $0x1800;
	[sflag:s31] =	ssyncadd.s32 $0xFFFFC000  }
0x99: {  	[tilespmem:s24], [sflag:$0x4] =	stream.indirect.gather [hbm4b:s1+s18], $0x80, s7, s18, $0xb8;
	[tilespmem:$0x15C00] =	vst v63  }
0x9a: {  	_ =	swait.ge [sflag:s25], $0x4000  }
0x9b: {  	[sflag:s25] =	ssyncset.done $0x0  }
0x9c: {  	s10 =	rddreg [dreg:$0x9];
	[sflag:s25] =	ssyncadd.s32 $0xFFFFC000  }
0x9d: {  	[hbm4b:s10+s3] =	stream.linear.scatter [tilespmem:s19], [sflag:$0x6], $0x4000, $0x38;
	[tilespmem:$0x15C00] =	vst v63  }
0x9e: {  	_ =	swait.ge [sflag:s5], $0x4000  }
0x9f: {  	[sflag:s5] =	ssyncset.done $0x0  }
0xa0: {  	s11 =	simm.s32 $0x1880;
	[sflag:s5] =	ssyncadd.s32 $0xFFFFC000  }
0xa1: {  	[tilespmem:s28], [sflag:$0x5] =	stream.indirect.gather [hbm4b:s1+s18], $0x80, s11, s18, $0xb8;
	[tilespmem:$0x15C00] =	vst v63  }
0xa2: {  	_ =	swait.ge [sflag:s29], $0x4000  }
0xa3: {  	[sflag:s29] =	ssyncset.done $0x0  }
0xa4: {  	s16 =	rddreg [dreg:$0xa];
	[sflag:s29] =	ssyncadd.s32 $0xFFFFC000  }
0xa5: {  	[hbm4b:s16+s3] =	stream.linear.scatter [tilespmem:s20], [sflag:$0x7], $0x4000, $0x38;
	[tilespmem:$0x15C00] =	vst v63  }
0xa6: {  	_ =	swait.ge [sflag:s2], $0x4000  }
0xa7: {  	[sflag:s2] =	ssyncset.done $0x0  }
0xa8: {  	[sflag:s2] =	ssyncadd.s32 $0xFFFFC000  }
0xa9: {  	[hbm4b:s12+s3] =	stream.linear.scatter [tilespmem:s22], [sflag:$0x8], $0x4000, $0x38;
	[tilespmem:$0x15C00] =	vst v63  }
0xaa: {  	_ =	swait.ge [sflag:s23], $0x4000  }
0xab: {  	[sflag:s23] =	ssyncset.done $0x0  }
0xac: {  	[sflag:s23] =	ssyncadd.s32 $0xFFFFC000  }
0xad: {  	[hbm4b:s13+s3] =	stream.linear.scatter [tilespmem:s24], [sflag:$0x9], $0x4000, $0x38;
	[tilespmem:$0x15C00] =	vst v63  }
0xae: {  	_ =	swait.ge [sflag:s21], $0x4000  }
0xaf: {  	[sflag:s21] =	ssyncset.done $0x0  }
0xb0: {  	[sflag:s21] =	ssyncadd.s32 $0xFFFFC000  }
0xb1: {  	[hbm4b:s14+s3] =	stream.linear.scatter [tilespmem:s28], [sflag:$0xA], $0x4000, $0x38;
	[tilespmem:$0x15C00] =	vst v63  }
0xb2: {  	_ =	swait.ge [sflag:s30], $0x4000  }
0xb3: {  	[sflag:s30] =	ssyncset.done $0x0  }
0xb4: {  	[sflag:s30] =	ssyncadd.s32 $0xFFFFC000  }
0xb5: {  	_ =	swait.ge [sflag:s0], $0x4000  }
0xb6: {  	[sflag:s0] =	ssyncset.done $0x0  }
0xb7: {  	[sflag:s0] =	ssyncadd.s32 $0xFFFFC000  }
0xb8: {  	_ =	swait.ge [sflag:s26], $0x4000  }
0xb9: {  	[sflag:s26] =	ssyncset.done $0x0  }
0xba: {  	s6 =	sadd.s32 $0x1, s6;
	[sflag:s26] =	ssyncadd.s32 $0xFFFFC000  }
0xbb: {  	p0 =	sne.s32 s6, s15;
	_ =	swait.ge [sflag:s31], $0x4000  }
.Ltmp1:
0xbc: {  	[sflag:s31] =	ssyncset.done $0x0;
	(pc) =	sbr.rel @p0 .LBB2_1-.Ltmp1, $4  }
0xbd: {  	[sflag:s31] =	ssyncadd.s32 $0xFFFFC000  }
0xbe: {  	_ =	swait.ge [sflag:s5], $0x4000  }
0xbf: {  	[sflag:s5] =	ssyncset.done $0x0  }
0xc0: {  	[sflag:s5] =	ssyncadd.s32 $0xFFFFC000  }
0xc1: {  	_ =	sfence.sel $0x180000  }
0xc2: {  	[bflag:$0x0] =	sbarrier.arrive $0xFFFF  }
0xc3: {  	_ =	strace $0x90000047  }
0xc4: {  	s0 =	stileid.u32;
	[bflag:$0x2] =	sbarrier.arrive $0xFFFF  }
0xc5: {  	p0 =	sne.s32 s0, $0x0;
	s0 =	rddreg [dreg:$0x3]  }
0xc6: {  	s0 =	sadd.s32 @!p0 $0x100000, s0  }
0xc7: {  	[sflag:s0] =	ssyncadd.tile.s32 @!p0 $0x1;
	_ =	shalt  }
.Lfunc_end2:
_tile_overlayer_lowered:
.L_overlay_start_2:
0xc8: {  	(tag) =	ssettag $0x2  }
0xc9: {  	s0 =	rddreg [dreg:$0x0];
	s2 =	stileid.u32  }
0xca: {  	s1 =	rddreg [dreg:$0x1];
	p0 =	sne.s32 s2, $0x0  }
0xcb: {  	s3 =	rddreg [dreg:$0x2];
	[bflag:$0x3] =	sbarrier.arrive $0xFFFF;
	s2 =	simm.s32 @!p0 $0x1C0B  }
0xcc: {  	[timem:s3], [sflag:s2] =	dma.local @!p0 [hbm:s0], s1  }
0xcd: {  	s0 =	simm.s32 @!p0 $0xB  }
0xce: {  	_ =	swait.ge @!p0 [sflag:s0], s1  }
0xcf: {  	s1 =	ssub.s32 @!p0 $0x0, s1;
	[sflag:s0] =	ssyncset.done @!p0 $0x0  }
0xd0: {  	[sflag:s0] =	ssyncadd.s32 @!p0 s1  }
0xd1: {  	[bflag:$0x3] =	sbarrier.arrive $0xFFFF  }
0xd2: {  	_ =	shalt  }

</sc_bundles>
